<compile_context>
chip_gen: v7x
topology: tpu7x:2x2x1
jax: 0.10.2.dev20260603
libtpu: 0.0.44.dev20260713+nightly
codegen_flags: <defaults>
</compile_context>

<pallas_src>
import jax
import jax.numpy as jnp
from jax import lax
from jax.experimental import pallas as pl
from jax.experimental.pallas import tpu as pltpu
from jax.experimental.pallas import tpu_sc as plsc

_N_SPLATS = 50000
_M = 4096
_BS = 512
_NB = 98
_UNROLL = 1
_NP = _NB * _BS
_MC = 4096
_NMC = _M // _MC
_MAX_DISTANCE = 1.0
_LANDMARK_WEIGHT = 1.0

_NC = 2
_NS = 16
_NW = _NC * _NS
_LPW = _M // _NW
_LANES = 16


def _split3(v, lo_ref, sl):
    lo_ref[:, sl:sl + 1] = v.astype(jnp.bfloat16)
    r1 = v - lo_ref[:, sl:sl + 1].astype(jnp.float32)
    lo_ref[:, sl + 1:sl + 2] = r1.astype(jnp.bfloat16)
    r2 = r1 - lo_ref[:, sl + 1:sl + 2].astype(jnp.float32)
    lo_ref[:, sl + 2:sl + 3] = r2.astype(jnp.bfloat16)


def _min_kernel(poset_ref, lm4_ref, x_ref, camplus_ref, ids_ref,
                camb_ref, run_ref):
    j = pl.program_id(0)
    i = pl.program_id(1)
    msl = pl.ds(j * _MC, _MC)

    @pl.when(i == 0)
    def _init():
        cam = lax.dot_general(lm4_ref[...], poset_ref[...],
                              (((1,), (0,)), ((), ())),
                              preferred_element_type=jnp.float32)
        camplus_ref[msl, 0:3] = cam
        camb_ref[:, 0:3] = (-2.0 * cam).astype(jnp.bfloat16)
        camb_ref[:, 3:6] = jnp.ones((_MC, 3), jnp.bfloat16)
        y2 = jnp.sum(cam * cam, axis=1, keepdims=True)
        _split3(y2, camb_ref, 6)
        run_ref[...] = jnp.full((_MC, _BS), jnp.float32(3e38), jnp.float32)

    d2 = lax.dot_general(camb_ref[...], x_ref[0],
                         (((1,), (0,)), ((), ())),
                         preferred_element_type=jnp.float32)
    d2 = jnp.maximum(d2, 1e-12)
    key = (lax.bitcast_convert_type(d2, jnp.int32) & jnp.int32(-128)) | i
    keyf = lax.bitcast_convert_type(key, jnp.float32)
    run_ref[...] = jnp.minimum(run_ref[...], keyf)

    @pl.when(i == _NB // _UNROLL - 1)
    def _extract():
        keys = lax.bitcast_convert_type(run_ref[...], jnp.int32)
        bi = keys & jnp.int32(127)
        d2t = lax.bitcast_convert_type(keys & jnp.int32(-128), jnp.float32)
        bm = jnp.min(d2t, axis=1, keepdims=True)
        lane = lax.broadcasted_iota(jnp.int32, (_MC, _BS), 1)
        gid = bi * _BS + lane
        cand = jnp.where(d2t == bm, gid, jnp.int32(2 ** 30))
        ids_ref[msl, :] = jnp.min(cand, axis=1, keepdims=True)
        camplus_ref[msl, 3:4] = bm


def _sc_loss_kernel(splat16_ref, camplus_ref, ids_ref, psum_ref, pcnt_ref,
                    idx_v, rows_v, cam_v, acc_v, sem):
    cid = lax.axis_index("c")
    sid = lax.axis_index("s")
    w = sid * _NC + cid
    base = w * _LPW
    pltpu.sync_copy(ids_ref.at[pl.ds(base, _LPW)], idx_v)
    pltpu.async_copy(splat16_ref.at[idx_v], rows_v, sem).wait()
    pltpu.sync_copy(camplus_ref.at[pl.ds(base, _LPW)], cam_v)
    lanes = lax.iota(jnp.int32, 16)
    zero = jnp.zeros((16,), jnp.int32)
    acc_s = jnp.zeros((16,), jnp.float32)
    acc_c = jnp.zeros((16,), jnp.float32)
    for c8 in range(_LPW // _LANES):
        ridx = lanes + c8 * _LANES
        gx = plsc.load_gather(rows_v, [ridx, zero])
        gy = plsc.load_gather(rows_v, [ridx, zero + 1])
        gz = plsc.load_gather(rows_v, [ridx, zero + 2])
        cx = plsc.load_gather(cam_v, [ridx, zero])
        cy = plsc.load_gather(cam_v, [ridx, zero + 1])
        cz = plsc.load_gather(cam_v, [ridx, zero + 2])
        md = plsc.load_gather(cam_v, [ridx, zero + 3])
        dx = gx - cx
        dy = gy - cy
        dz = gz - cz
        sq = dx * dx + dy * dy + dz * dz
        valid = md < (_MAX_DISTANCE * _MAX_DISTANCE)
        acc_s = acc_s + jnp.where(valid, sq, 0.0)
        acc_c = acc_c + jnp.where(valid, 1.0, 0.0)
    acc_v[...] = acc_s
    pltpu.sync_copy(acc_v, psum_ref.at[w])
    acc_v[...] = acc_c
    pltpu.sync_copy(acc_v, pcnt_ref.at[w])


def _finish_kernel(psum_ref, pcnt_ref, out_ref):
    s = jnp.sum(psum_ref[...])
    nv = jnp.sum(pcnt_ref[...])
    out_ref[0, 0] = _LANDMARK_WEIGHT * s / jnp.maximum(3.0 * nv, 1.0)


def kernel(splat_positions, camera_pose, landmarks_3d, landmarks_2d,
           camera_intrinsics):
    del landmarks_2d, camera_intrinsics
    xp = jnp.pad(splat_positions, ((0, _NP - _N_SPLATS), (0, 0)),
                 constant_values=1e6)
    x2 = jnp.sum(xp * xp, axis=1, keepdims=True)
    h1 = lax.reduce_precision(x2, 8, 7)
    r1 = x2 - h1
    h2 = lax.reduce_precision(r1, 8, 7)
    h3 = lax.reduce_precision(r1 - h2, 8, 7)
    x9 = jnp.concatenate(
        [xp, h1, h2, h3, jnp.ones((_NP, 3), jnp.float32)], axis=1
    ).astype(jnp.bfloat16)
    x = x9.reshape(_NB, _BS, 9).transpose(0, 2, 1)
    poset = camera_pose[:3, :].T.astype(jnp.bfloat16)
    lm4 = jnp.concatenate(
        [landmarks_3d, jnp.ones((_M, 1), jnp.float32)], axis=1
    ).astype(jnp.bfloat16)
    splat16 = jnp.pad(splat_positions, ((0, 0), (0, 13)))

    camplus, ids = pl.pallas_call(
        _min_kernel,
        grid=(_NMC, _NB // _UNROLL),
        in_specs=[
            pl.BlockSpec((4, 3), lambda j, i: (0, 0)),
            pl.BlockSpec((_MC, 4), lambda j, i: (j, 0)),
            pl.BlockSpec((_UNROLL, 9, _BS), lambda j, i: (i, 0, 0)),
        ],
        out_specs=[
            pl.BlockSpec((_M, 16), lambda j, i: (0, 0)),
            pl.BlockSpec((_M, 1), lambda j, i: (0, 0)),
        ],
        out_shape=[
            jax.ShapeDtypeStruct((_M, 16), jnp.float32),
            jax.ShapeDtypeStruct((_M, 1), jnp.int32),
        ],
        scratch_shapes=[
            pltpu.VMEM((_MC, 9), jnp.bfloat16),
            pltpu.VMEM((_MC, _BS), jnp.float32),
        ],
    )(poset, lm4, x)

    sc_loss = pl.kernel(
        _sc_loss_kernel,
        out_type=[
            jax.ShapeDtypeStruct((_NW, 16), jnp.float32),
            jax.ShapeDtypeStruct((_NW, 16), jnp.float32),
        ],
        mesh=plsc.VectorSubcoreMesh(core_axis_name="c", subcore_axis_name="s",
                                    num_cores=_NC, num_subcores=_NS),
        compiler_params=pltpu.CompilerParams(needs_layout_passes=False,
                                             use_tc_tiling_on_sc=False),
        scratch_types=[
            pltpu.VMEM((_LPW,), jnp.int32),
            pltpu.VMEM((_LPW, 16), jnp.float32),
            pltpu.VMEM((_LPW, 16), jnp.float32),
            pltpu.VMEM((16,), jnp.float32),
            pltpu.SemaphoreType.DMA,
        ],
    )
    psum, pcnt = sc_loss(splat16, camplus, ids.reshape(_M))

    out = pl.pallas_call(
        _finish_kernel,
        in_specs=[
            pl.BlockSpec(memory_space=pltpu.VMEM),
            pl.BlockSpec(memory_space=pltpu.VMEM),
        ],
        out_specs=pl.BlockSpec(memory_space=pltpu.SMEM),
        out_shape=jax.ShapeDtypeStruct((1, 1), jnp.float32),
    )(psum, pcnt)
    return out[0, 0]

# --- scband reference (transcript-rebuilt; emitter-appended) ---
"""Pipeline reference for scband-pose-consistency-loss-68676527063609 (READ-ONLY COPY).

The authoritative reference and input builder live on the scoring server;
editing this copy changes nothing except your own understanding.
"""

import jax, jax.numpy as jnp
import numpy as np

MAX_DISTANCE = 1.0
LANDMARK_WEIGHT = 1.0


def setup_inputs(seed: int = 0) -> dict:
    key = jax.random.key(seed)
    k1, k2, k3, k4, k5 = jax.random.split(key, 5)
    splat_positions = jax.random.normal(k1, (50000, 3), dtype=jnp.float32)
    camera_pose = jax.random.normal(k2, (4, 4), dtype=jnp.float32)
    landmarks_3d = jax.random.normal(k3, (4096, 3), dtype=jnp.float32)
    landmarks_2d = jax.random.normal(k4, (4096, 2), dtype=jnp.float32)
    camera_intrinsics = jax.random.normal(k5, (3, 3), dtype=jnp.float32)
    return {
        "splat_positions": splat_positions,
        "camera_pose": camera_pose,
        "landmarks_3d": landmarks_3d,
        "landmarks_2d": landmarks_2d,
        "camera_intrinsics": camera_intrinsics,
    }


def reference(splat_positions, camera_pose, landmarks_3d, landmarks_2d, camera_intrinsics):
    M = landmarks_3d.shape[0]
    # homogeneous landmarks and transform into camera frame
    hom = jnp.concatenate([landmarks_3d, jnp.ones((M, 1), dtype=landmarks_3d.dtype)], axis=1)
    landmarks_cam = jnp.matmul(camera_pose, hom.T).T[:, :3]
    # torch.cdist (p=2): pairwise euclidean distances [N, M]
    x2 = jnp.sum(splat_positions * splat_positions, axis=1)[:, None]
    y2 = jnp.sum(landmarks_cam * landmarks_cam, axis=1)[None, :]
    d2 = x2 + y2 - 2.0 * jnp.matmul(splat_positions, landmarks_cam.T)
    distances = jnp.sqrt(jnp.maximum(d2, 1e-12))
    # nearest splat for each landmark
    nearest_splat_ids = jnp.argmin(distances, axis=0)
    min_distances = distances[nearest_splat_ids, jnp.arange(M)]
    valid_mask = min_distances < MAX_DISTANCE
    # gather matched splats; masked MSE over valid matches
    matched_splats = jnp.take(splat_positions, nearest_splat_ids, axis=0)
    sq_err = jnp.sum((matched_splats - landmarks_cam) ** 2, axis=1)
    num_valid = jnp.sum(valid_mask)
    denom = jnp.maximum(num_valid * 3, 1).astype(jnp.float32)
    position_loss = jnp.sum(jnp.where(valid_mask, sq_err, 0.0)) / denom
    total_loss = LANDMARK_WEIGHT * position_loss
    return total_loss

if __name__ == "__main__":
    import jax
    _d = setup_inputs()
    print(jax.jit(kernel)(*tuple(_d.values())))

</pallas_src>

<mosaic_0001>
#map = affine_map<(d0, d1) -> (0, 0)>
#map1 = affine_map<(d0, d1) -> (0)>
module attributes {stable_mosaic.version = 14 : i64} {
  func.func @_sc_loss_kernel(%arg0: i32, %arg1: i32, %arg2: memref<50000x16xf32, #tpu.memory_space<hbm>>, %arg3: memref<4096x16xf32, #tpu.memory_space<hbm>>, %arg4: memref<4096xi32, #tpu.memory_space<hbm>>, %arg5: memref<32x16xf32, #tpu.memory_space<hbm>>, %arg6: memref<32x16xf32, #tpu.memory_space<hbm>>, %arg7: memref<128xi32, #tpu.memory_space<vmem>>, %arg8: memref<128x16xf32, #tpu.memory_space<vmem>>, %arg9: memref<128x16xf32, #tpu.memory_space<vmem>>, %arg10: memref<16xf32, #tpu.memory_space<vmem>>, %arg11: memref<!tpu.dma_semaphore, #tpu.memory_space<semaphore_mem>>) attributes {dimension_semantics = [#tpu.dimension_semantics<core_parallel>, #tpu.dimension_semantics<subcore_parallel>], iteration_bounds = array<i64: 2, 16>, scalar_prefetch = 0 : i64, scratch_operands = 5 : i64, tpu.core_type = #tpu.core_type<sc_vector_subcore>, window_params = [{transform_indices = #map}, {transform_indices = #map}, {transform_indices = #map1}, {transform_indices = #map}, {transform_indices = #map}]} {
    %mul3A = arith.constant 2 : i32
    %mul3A_0 = arith.muli %arg1, %mul3A : i32
    %add3A = arith.addi %mul3A_0, %arg0 : i32
    %mul3A_1 = arith.constant 128 : i32
    %mul3A_2 = arith.muli %add3A, %mul3A_1 : i32
    "tpu.region"() ({
      %run_scoped3A = tpu.sem_alloc : memref<!tpu.dma_semaphore, #tpu.memory_space<semaphore_mem>>
      %dma_start3A_378 = tpu.memref_slice %arg4[%mul3A_2] : memref<4096xi32, #tpu.memory_space<hbm>> -> memref<128xi32, #tpu.memory_space<hbm>>
      %dma_start3A_379 = tpu.memref_slice %arg4[%mul3A_2] : memref<4096xi32, #tpu.memory_space<hbm>> -> memref<128xi32, #tpu.memory_space<hbm>>
      tpu.enqueue_dma source(%dma_start3A_379 : memref<128xi32, #tpu.memory_space<hbm>>) target(%arg7 : memref<128xi32, #tpu.memory_space<vmem>>) target_semaphore(%run_scoped3A : memref<!tpu.dma_semaphore, #tpu.memory_space<semaphore_mem>>)
      %dma_wait3A_380 = tpu.memref_slice %arg4[%mul3A_2] : memref<4096xi32, #tpu.memory_space<hbm>> -> memref<128xi32, #tpu.memory_space<hbm>>
      %dma_wait3A_381 = tpu.memref_slice %arg4[%mul3A_2] : memref<4096xi32, #tpu.memory_space<hbm>> -> memref<128xi32, #tpu.memory_space<hbm>>
      tpu.wait_dma2 semaphore(%run_scoped3A : memref<!tpu.dma_semaphore, #tpu.memory_space<semaphore_mem>>) src(%dma_wait3A_381 : memref<128xi32, #tpu.memory_space<hbm>>) dst(%arg7 : memref<128xi32, #tpu.memory_space<vmem>>)
      tpu.yield
    }) : () -> ()
    %dma_start3A = arith.constant 0 : i32
    %dma_start3A_3 = arith.constant 0 : i32
    %dma_start3A_4 = tpu.memref_slice %arg2[%dma_start3A, %dma_start3A_3] : memref<50000x16xf32, #tpu.memory_space<hbm>> -> memref<50000x16xf32, #tpu.memory_space<hbm>>
    tpu.enqueue_indirect_dma source(%dma_start3A_4 : memref<50000x16xf32, #tpu.memory_space<hbm>>) target(%arg8 : memref<128x16xf32, #tpu.memory_space<vmem>>) offsets(%arg7 : memref<128xi32, #tpu.memory_space<vmem>>) semaphore(%arg11 : memref<!tpu.dma_semaphore, #tpu.memory_space<semaphore_mem>>)
    %dma_wait3A = arith.constant 0 : i32
    %dma_wait3A_5 = arith.constant 0 : i32
    %dma_wait3A_6 = tpu.memref_slice %arg2[%dma_wait3A, %dma_wait3A_5] : memref<50000x16xf32, #tpu.memory_space<hbm>> -> memref<50000x16xf32, #tpu.memory_space<hbm>>
    tpu.wait_indirect_dma semaphore(%arg11 : memref<!tpu.dma_semaphore, #tpu.memory_space<semaphore_mem>>) src(%dma_wait3A_6 : memref<50000x16xf32, #tpu.memory_space<hbm>>) dst(%arg8 : memref<128x16xf32, #tpu.memory_space<vmem>>)
    "tpu.region"() ({
      %run_scoped3A = tpu.sem_alloc : memref<!tpu.dma_semaphore, #tpu.memory_space<semaphore_mem>>
      %dma_start3A_378 = arith.constant 0 : i32
      %dma_start3A_379 = tpu.memref_slice %arg3[%mul3A_2, %dma_start3A_378] : memref<4096x16xf32, #tpu.memory_space<hbm>> -> memref<128x16xf32, #tpu.memory_space<hbm>>
      %dma_start3A_380 = arith.constant 0 : i32
      %dma_start3A_381 = tpu.memref_slice %arg3[%mul3A_2, %dma_start3A_380] : memref<4096x16xf32, #tpu.memory_space<hbm>> -> memref<128x16xf32, #tpu.memory_space<hbm>>
      tpu.enqueue_dma source(%dma_start3A_381 : memref<128x16xf32, #tpu.memory_space<hbm>>) target(%arg9 : memref<128x16xf32, #tpu.memory_space<vmem>>) target_semaphore(%run_scoped3A : memref<!tpu.dma_semaphore, #tpu.memory_space<semaphore_mem>>)
      %dma_wait3A_382 = arith.constant 0 : i32
      %dma_wait3A_383 = tpu.memref_slice %arg3[%mul3A_2, %dma_wait3A_382] : memref<4096x16xf32, #tpu.memory_space<hbm>> -> memref<128x16xf32, #tpu.memory_space<hbm>>
      %dma_wait3A_384 = arith.constant 0 : i32
      %dma_wait3A_385 = tpu.memref_slice %arg3[%mul3A_2, %dma_wait3A_384] : memref<4096x16xf32, #tpu.memory_space<hbm>> -> memref<128x16xf32, #tpu.memory_space<hbm>>
      tpu.wait_dma2 semaphore(%run_scoped3A : memref<!tpu.dma_semaphore, #tpu.memory_space<semaphore_mem>>) src(%dma_wait3A_385 : memref<128x16xf32, #tpu.memory_space<hbm>>) dst(%arg9 : memref<128x16xf32, #tpu.memory_space<vmem>>)
      tpu.yield
    }) : () -> ()
    %iota3A = tpu.iota {dimensions = array<i32: 0>} : vector<16xi32>
    %broadcast_in_dim3A = arith.constant 0 : i32
    %broadcast_in_dim3A_7 = vector.broadcast %broadcast_in_dim3A : i32 to vector<16xi32>
    %broadcast_in_dim3A_8 = arith.constant 0.000000e+00 : f32
    %broadcast_in_dim3A_9 = vector.broadcast %broadcast_in_dim3A_8 : f32 to vector<16xf32>
    %broadcast_in_dim3A_10 = arith.constant 0.000000e+00 : f32
    %broadcast_in_dim3A_11 = vector.broadcast %broadcast_in_dim3A_10 : f32 to vector<16xf32>
    %add3A_12 = arith.constant 0 : i32
    %add3A_13 = vector.broadcast %add3A_12 : i32 to vector<16xi32>
    %add3A_14 = arith.addi %iota3A, %add3A_13 : vector<16xi32>
    %gather3A = tpu.vector_load_idx %arg8[%add3A_14, %broadcast_in_dim3A_7] : memref<128x16xf32, #tpu.memory_space<vmem>>[vector<16xi32>, vector<16xi32>], vector<16xf32>,
    %add3A_15 = arith.constant 1 : i32
    %add3A_16 = vector.broadcast %add3A_15 : i32 to vector<16xi32>
    %add3A_17 = arith.addi %broadcast_in_dim3A_7, %add3A_16 : vector<16xi32>
    %gather3A_18 = tpu.vector_load_idx %arg8[%add3A_14, %add3A_17] : memref<128x16xf32, #tpu.memory_space<vmem>>[vector<16xi32>, vector<16xi32>], vector<16xf32>,
    %add3A_19 = arith.constant 2 : i32
    %add3A_20 = vector.broadcast %add3A_19 : i32 to vector<16xi32>
    %add3A_21 = arith.addi %broadcast_in_dim3A_7, %add3A_20 : vector<16xi32>
    %gather3A_22 = tpu.vector_load_idx %arg8[%add3A_14, %add3A_21] : memref<128x16xf32, #tpu.memory_space<vmem>>[vector<16xi32>, vector<16xi32>], vector<16xf32>,
    %gather3A_23 = tpu.vector_load_idx %arg9[%add3A_14, %broadcast_in_dim3A_7] : memref<128x16xf32, #tpu.memory_space<vmem>>[vector<16xi32>, vector<16xi32>], vector<16xf32>,
    %add3A_24 = arith.constant 1 : i32
    %add3A_25 = vector.broadcast %add3A_24 : i32 to vector<16xi32>
    %add3A_26 = arith.addi %broadcast_in_dim3A_7, %add3A_25 : vector<16xi32>
    %gather3A_27 = tpu.vector_load_idx %arg9[%add3A_14, %add3A_26] : memref<128x16xf32, #tpu.memory_space<vmem>>[vector<16xi32>, vector<16xi32>], vector<16xf32>,
    %add3A_28 = arith.constant 2 : i32
    %add3A_29 = vector.broadcast %add3A_28 : i32 to vector<16xi32>
    %add3A_30 = arith.addi %broadcast_in_dim3A_7, %add3A_29 : vector<16xi32>
    %gather3A_31 = tpu.vector_load_idx %arg9[%add3A_14, %add3A_30] : memref<128x16xf32, #tpu.memory_space<vmem>>[vector<16xi32>, vector<16xi32>], vector<16xf32>,
    %add3A_32 = arith.constant 3 : i32
    %add3A_33 = vector.broadcast %add3A_32 : i32 to vector<16xi32>
    %add3A_34 = arith.addi %broadcast_in_dim3A_7, %add3A_33 : vector<16xi32>
    %gather3A_35 = tpu.vector_load_idx %arg9[%add3A_14, %add3A_34] : memref<128x16xf32, #tpu.memory_space<vmem>>[vector<16xi32>, vector<16xi32>], vector<16xf32>,
    %sub3A = arith.subf %gather3A, %gather3A_23 : vector<16xf32>
    %sub3A_36 = arith.subf %gather3A_18, %gather3A_27 : vector<16xf32>
    %sub3A_37 = arith.subf %gather3A_22, %gather3A_31 : vector<16xf32>
    %mul3A_38 = arith.mulf %sub3A, %sub3A : vector<16xf32>
    %mul3A_39 = arith.mulf %sub3A_36, %sub3A_36 : vector<16xf32>
    %add3A_40 = arith.addf %mul3A_38, %mul3A_39 : vector<16xf32>
    %mul3A_41 = arith.mulf %sub3A_37, %sub3A_37 : vector<16xf32>
    %add3A_42 = arith.addf %add3A_40, %mul3A_41 : vector<16xf32>
    %lt3A = arith.constant 1.000000e+00 : f32
    %lt3A_43 = vector.broadcast %lt3A : f32 to vector<16xf32>
    %lt3A_44 = arith.cmpf olt, %gather3A_35, %lt3A_43 : vector<16xf32>
    %jit3A = arith.constant 0.000000e+00 : f32
    %broadcast_in_dim3A_45 = vector.broadcast %jit3A : f32 to vector<16xf32>
    %select_n3A = arith.select %lt3A_44, %add3A_42, %broadcast_in_dim3A_45 : vector<16xi1>, vector<16xf32>
    %add3A_46 = arith.addf %broadcast_in_dim3A_9, %select_n3A : vector<16xf32>
    %jit3A_47 = arith.constant 1.000000e+00 : f32
    %jit3A_48 = arith.constant 0.000000e+00 : f32
    %broadcast_in_dim3A_49 = vector.broadcast %jit3A_47 : f32 to vector<16xf32>
    %broadcast_in_dim3A_50 = vector.broadcast %jit3A_48 : f32 to vector<16xf32>
    %select_n3A_51 = arith.select %lt3A_44, %broadcast_in_dim3A_49, %broadcast_in_dim3A_50 : vector<16xi1>, vector<16xf32>
    %add3A_52 = arith.addf %broadcast_in_dim3A_11, %select_n3A_51 : vector<16xf32>
    %add3A_53 = arith.constant 16 : i32
    %add3A_54 = vector.broadcast %add3A_53 : i32 to vector<16xi32>
    %add3A_55 = arith.addi %iota3A, %add3A_54 : vector<16xi32>
    %gather3A_56 = tpu.vector_load_idx %arg8[%add3A_55, %broadcast_in_dim3A_7] : memref<128x16xf32, #tpu.memory_space<vmem>>[vector<16xi32>, vector<16xi32>], vector<16xf32>,
    %add3A_57 = arith.constant 1 : i32
    %add3A_58 = vector.broadcast %add3A_57 : i32 to vector<16xi32>
    %add3A_59 = arith.addi %broadcast_in_dim3A_7, %add3A_58 : vector<16xi32>
    %gather3A_60 = tpu.vector_load_idx %arg8[%add3A_55, %add3A_59] : memref<128x16xf32, #tpu.memory_space<vmem>>[vector<16xi32>, vector<16xi32>], vector<16xf32>,
    %add3A_61 = arith.constant 2 : i32
    %add3A_62 = vector.broadcast %add3A_61 : i32 to vector<16xi32>
    %add3A_63 = arith.addi %broadcast_in_dim3A_7, %add3A_62 : vector<16xi32>
    %gather3A_64 = tpu.vector_load_idx %arg8[%add3A_55, %add3A_63] : memref<128x16xf32, #tpu.memory_space<vmem>>[vector<16xi32>, vector<16xi32>], vector<16xf32>,
    %gather3A_65 = tpu.vector_load_idx %arg9[%add3A_55, %broadcast_in_dim3A_7] : memref<128x16xf32, #tpu.memory_space<vmem>>[vector<16xi32>, vector<16xi32>], vector<16xf32>,
    %add3A_66 = arith.constant 1 : i32
    %add3A_67 = vector.broadcast %add3A_66 : i32 to vector<16xi32>
    %add3A_68 = arith.addi %broadcast_in_dim3A_7, %add3A_67 : vector<16xi32>
    %gather3A_69 = tpu.vector_load_idx %arg9[%add3A_55, %add3A_68] : memref<128x16xf32, #tpu.memory_space<vmem>>[vector<16xi32>, vector<16xi32>], vector<16xf32>,
    %add3A_70 = arith.constant 2 : i32
    %add3A_71 = vector.broadcast %add3A_70 : i32 to vector<16xi32>
    %add3A_72 = arith.addi %broadcast_in_dim3A_7, %add3A_71 : vector<16xi32>
    %gather3A_73 = tpu.vector_load_idx %arg9[%add3A_55, %add3A_72] : memref<128x16xf32, #tpu.memory_space<vmem>>[vector<16xi32>, vector<16xi32>], vector<16xf32>,
    %add3A_74 = arith.constant 3 : i32
    %add3A_75 = vector.broadcast %add3A_74 : i32 to vector<16xi32>
    %add3A_76 = arith.addi %broadcast_in_dim3A_7, %add3A_75 : vector<16xi32>
    %gather3A_77 = tpu.vector_load_idx %arg9[%add3A_55, %add3A_76] : memref<128x16xf32, #tpu.memory_space<vmem>>[vector<16xi32>, vector<16xi32>], vector<16xf32>,
    %sub3A_78 = arith.subf %gather3A_56, %gather3A_65 : vector<16xf32>
    %sub3A_79 = arith.subf %gather3A_60, %gather3A_69 : vector<16xf32>
    %sub3A_80 = arith.subf %gather3A_64, %gather3A_73 : vector<16xf32>
    %mul3A_81 = arith.mulf %sub3A_78, %sub3A_78 : vector<16xf32>
    %mul3A_82 = arith.mulf %sub3A_79, %sub3A_79 : vector<16xf32>
    %add3A_83 = arith.addf %mul3A_81, %mul3A_82 : vector<16xf32>
    %mul3A_84 = arith.mulf %sub3A_80, %sub3A_80 : vector<16xf32>
    %add3A_85 = arith.addf %add3A_83, %mul3A_84 : vector<16xf32>
    %lt3A_86 = arith.constant 1.000000e+00 : f32
    %lt3A_87 = vector.broadcast %lt3A_86 : f32 to vector<16xf32>
    %lt3A_88 = arith.cmpf olt, %gather3A_77, %lt3A_87 : vector<16xf32>
    %jit3A_89 = arith.constant 0.000000e+00 : f32
    %broadcast_in_dim3A_90 = vector.broadcast %jit3A_89 : f32 to vector<16xf32>
    %select_n3A_91 = arith.select %lt3A_88, %add3A_85, %broadcast_in_dim3A_90 : vector<16xi1>, vector<16xf32>
    %add3A_92 = arith.addf %add3A_46, %select_n3A_91 : vector<16xf32>
    %jit3A_93 = arith.constant 1.000000e+00 : f32
    %jit3A_94 = arith.constant 0.000000e+00 : f32
    %broadcast_in_dim3A_95 = vector.broadcast %jit3A_93 : f32 to vector<16xf32>
    %broadcast_in_dim3A_96 = vector.broadcast %jit3A_94 : f32 to vector<16xf32>
    %select_n3A_97 = arith.select %lt3A_88, %broadcast_in_dim3A_95, %broadcast_in_dim3A_96 : vector<16xi1>, vector<16xf32>
    %add3A_98 = arith.addf %add3A_52, %select_n3A_97 : vector<16xf32>
    %add3A_99 = arith.constant 32 : i32
    %add3A_100 = vector.broadcast %add3A_99 : i32 to vector<16xi32>
    %add3A_101 = arith.addi %iota3A, %add3A_100 : vector<16xi32>
    %gather3A_102 = tpu.vector_load_idx %arg8[%add3A_101, %broadcast_in_dim3A_7] : memref<128x16xf32, #tpu.memory_space<vmem>>[vector<16xi32>, vector<16xi32>], vector<16xf32>,
    %add3A_103 = arith.constant 1 : i32
    %add3A_104 = vector.broadcast %add3A_103 : i32 to vector<16xi32>
    %add3A_105 = arith.addi %broadcast_in_dim3A_7, %add3A_104 : vector<16xi32>
    %gather3A_106 = tpu.vector_load_idx %arg8[%add3A_101, %add3A_105] : memref<128x16xf32, #tpu.memory_space<vmem>>[vector<16xi32>, vector<16xi32>], vector<16xf32>,
    %add3A_107 = arith.constant 2 : i32
    %add3A_108 = vector.broadcast %add3A_107 : i32 to vector<16xi32>
    %add3A_109 = arith.addi %broadcast_in_dim3A_7, %add3A_108 : vector<16xi32>
    %gather3A_110 = tpu.vector_load_idx %arg8[%add3A_101, %add3A_109] : memref<128x16xf32, #tpu.memory_space<vmem>>[vector<16xi32>, vector<16xi32>], vector<16xf32>,
    %gather3A_111 = tpu.vector_load_idx %arg9[%add3A_101, %broadcast_in_dim3A_7] : memref<128x16xf32, #tpu.memory_space<vmem>>[vector<16xi32>, vector<16xi32>], vector<16xf32>,
    %add3A_112 = arith.constant 1 : i32
    %add3A_113 = vector.broadcast %add3A_112 : i32 to vector<16xi32>
    %add3A_114 = arith.addi %broadcast_in_dim3A_7, %add3A_113 : vector<16xi32>
    %gather3A_115 = tpu.vector_load_idx %arg9[%add3A_101, %add3A_114] : memref<128x16xf32, #tpu.memory_space<vmem>>[vector<16xi32>, vector<16xi32>], vector<16xf32>,
    %add3A_116 = arith.constant 2 : i32
    %add3A_117 = vector.broadcast %add3A_116 : i32 to vector<16xi32>
    %add3A_118 = arith.addi %broadcast_in_dim3A_7, %add3A_117 : vector<16xi32>
    %gather3A_119 = tpu.vector_load_idx %arg9[%add3A_101, %add3A_118] : memref<128x16xf32, #tpu.memory_space<vmem>>[vector<16xi32>, vector<16xi32>], vector<16xf32>,
    %add3A_120 = arith.constant 3 : i32
    %add3A_121 = vector.broadcast %add3A_120 : i32 to vector<16xi32>
    %add3A_122 = arith.addi %broadcast_in_dim3A_7, %add3A_121 : vector<16xi32>
    %gather3A_123 = tpu.vector_load_idx %arg9[%add3A_101, %add3A_122] : memref<128x16xf32, #tpu.memory_space<vmem>>[vector<16xi32>, vector<16xi32>], vector<16xf32>,
    %sub3A_124 = arith.subf %gather3A_102, %gather3A_111 : vector<16xf32>
    %sub3A_125 = arith.subf %gather3A_106, %gather3A_115 : vector<16xf32>
    %sub3A_126 = arith.subf %gather3A_110, %gather3A_119 : vector<16xf32>
    %mul3A_127 = arith.mulf %sub3A_124, %sub3A_124 : vector<16xf32>
    %mul3A_128 = arith.mulf %sub3A_125, %sub3A_125 : vector<16xf32>
    %add3A_129 = arith.addf %mul3A_127, %mul3A_128 : vector<16xf32>
    %mul3A_130 = arith.mulf %sub3A_126, %sub3A_126 : vector<16xf32>
    %add3A_131 = arith.addf %add3A_129, %mul3A_130 : vector<16xf32>
    %lt3A_132 = arith.constant 1.000000e+00 : f32
    %lt3A_133 = vector.broadcast %lt3A_132 : f32 to vector<16xf32>
    %lt3A_134 = arith.cmpf olt, %gather3A_123, %lt3A_133 : vector<16xf32>
    %jit3A_135 = arith.constant 0.000000e+00 : f32
    %broadcast_in_dim3A_136 = vector.broadcast %jit3A_135 : f32 to vector<16xf32>
    %select_n3A_137 = arith.select %lt3A_134, %add3A_131, %broadcast_in_dim3A_136 : vector<16xi1>, vector<16xf32>
    %add3A_138 = arith.addf %add3A_92, %select_n3A_137 : vector<16xf32>
    %jit3A_139 = arith.constant 1.000000e+00 : f32
    %jit3A_140 = arith.constant 0.000000e+00 : f32
    %broadcast_in_dim3A_141 = vector.broadcast %jit3A_139 : f32 to vector<16xf32>
    %broadcast_in_dim3A_142 = vector.broadcast %jit3A_140 : f32 to vector<16xf32>
    %select_n3A_143 = arith.select %lt3A_134, %broadcast_in_dim3A_141, %broadcast_in_dim3A_142 : vector<16xi1>, vector<16xf32>
    %add3A_144 = arith.addf %add3A_98, %select_n3A_143 : vector<16xf32>
    %add3A_145 = arith.constant 48 : i32
    %add3A_146 = vector.broadcast %add3A_145 : i32 to vector<16xi32>
    %add3A_147 = arith.addi %iota3A, %add3A_146 : vector<16xi32>
    %gather3A_148 = tpu.vector_load_idx %arg8[%add3A_147, %broadcast_in_dim3A_7] : memref<128x16xf32, #tpu.memory_space<vmem>>[vector<16xi32>, vector<16xi32>], vector<16xf32>,
    %add3A_149 = arith.constant 1 : i32
    %add3A_150 = vector.broadcast %add3A_149 : i32 to vector<16xi32>
    %add3A_151 = arith.addi %broadcast_in_dim3A_7, %add3A_150 : vector<16xi32>
    %gather3A_152 = tpu.vector_load_idx %arg8[%add3A_147, %add3A_151] : memref<128x16xf32, #tpu.memory_space<vmem>>[vector<16xi32>, vector<16xi32>], vector<16xf32>,
    %add3A_153 = arith.constant 2 : i32
    %add3A_154 = vector.broadcast %add3A_153 : i32 to vector<16xi32>
    %add3A_155 = arith.addi %broadcast_in_dim3A_7, %add3A_154 : vector<16xi32>
    %gather3A_156 = tpu.vector_load_idx %arg8[%add3A_147, %add3A_155] : memref<128x16xf32, #tpu.memory_space<vmem>>[vector<16xi32>, vector<16xi32>], vector<16xf32>,
    %gather3A_157 = tpu.vector_load_idx %arg9[%add3A_147, %broadcast_in_dim3A_7] : memref<128x16xf32, #tpu.memory_space<vmem>>[vector<16xi32>, vector<16xi32>], vector<16xf32>,
    %add3A_158 = arith.constant 1 : i32
    %add3A_159 = vector.broadcast %add3A_158 : i32 to vector<16xi32>
    %add3A_160 = arith.addi %broadcast_in_dim3A_7, %add3A_159 : vector<16xi32>
    %gather3A_161 = tpu.vector_load_idx %arg9[%add3A_147, %add3A_160] : memref<128x16xf32, #tpu.memory_space<vmem>>[vector<16xi32>, vector<16xi32>], vector<16xf32>,
    %add3A_162 = arith.constant 2 : i32
    %add3A_163 = vector.broadcast %add3A_162 : i32 to vector<16xi32>
    %add3A_164 = arith.addi %broadcast_in_dim3A_7, %add3A_163 : vector<16xi32>
    %gather3A_165 = tpu.vector_load_idx %arg9[%add3A_147, %add3A_164] : memref<128x16xf32, #tpu.memory_space<vmem>>[vector<16xi32>, vector<16xi32>], vector<16xf32>,
    %add3A_166 = arith.constant 3 : i32
    %add3A_167 = vector.broadcast %add3A_166 : i32 to vector<16xi32>
    %add3A_168 = arith.addi %broadcast_in_dim3A_7, %add3A_167 : vector<16xi32>
    %gather3A_169 = tpu.vector_load_idx %arg9[%add3A_147, %add3A_168] : memref<128x16xf32, #tpu.memory_space<vmem>>[vector<16xi32>, vector<16xi32>], vector<16xf32>,
    %sub3A_170 = arith.subf %gather3A_148, %gather3A_157 : vector<16xf32>
    %sub3A_171 = arith.subf %gather3A_152, %gather3A_161 : vector<16xf32>
    %sub3A_172 = arith.subf %gather3A_156, %gather3A_165 : vector<16xf32>
    %mul3A_173 = arith.mulf %sub3A_170, %sub3A_170 : vector<16xf32>
    %mul3A_174 = arith.mulf %sub3A_171, %sub3A_171 : vector<16xf32>
    %add3A_175 = arith.addf %mul3A_173, %mul3A_174 : vector<16xf32>
    %mul3A_176 = arith.mulf %sub3A_172, %sub3A_172 : vector<16xf32>
    %add3A_177 = arith.addf %add3A_175, %mul3A_176 : vector<16xf32>
    %lt3A_178 = arith.constant 1.000000e+00 : f32
    %lt3A_179 = vector.broadcast %lt3A_178 : f32 to vector<16xf32>
    %lt3A_180 = arith.cmpf olt, %gather3A_169, %lt3A_179 : vector<16xf32>
    %jit3A_181 = arith.constant 0.000000e+00 : f32
    %broadcast_in_dim3A_182 = vector.broadcast %jit3A_181 : f32 to vector<16xf32>
    %select_n3A_183 = arith.select %lt3A_180, %add3A_177, %broadcast_in_dim3A_182 : vector<16xi1>, vector<16xf32>
    %add3A_184 = arith.addf %add3A_138, %select_n3A_183 : vector<16xf32>
    %jit3A_185 = arith.constant 1.000000e+00 : f32
    %jit3A_186 = arith.constant 0.000000e+00 : f32
    %broadcast_in_dim3A_187 = vector.broadcast %jit3A_185 : f32 to vector<16xf32>
    %broadcast_in_dim3A_188 = vector.broadcast %jit3A_186 : f32 to vector<16xf32>
    %select_n3A_189 = arith.select %lt3A_180, %broadcast_in_dim3A_187, %broadcast_in_dim3A_188 : vector<16xi1>, vector<16xf32>
    %add3A_190 = arith.addf %add3A_144, %select_n3A_189 : vector<16xf32>
    %add3A_191 = arith.constant 64 : i32
    %add3A_192 = vector.broadcast %add3A_191 : i32 to vector<16xi32>
    %add3A_193 = arith.addi %iota3A, %add3A_192 : vector<16xi32>
    %gather3A_194 = tpu.vector_load_idx %arg8[%add3A_193, %broadcast_in_dim3A_7] : memref<128x16xf32, #tpu.memory_space<vmem>>[vector<16xi32>, vector<16xi32>], vector<16xf32>,
    %add3A_195 = arith.constant 1 : i32
    %add3A_196 = vector.broadcast %add3A_195 : i32 to vector<16xi32>
    %add3A_197 = arith.addi %broadcast_in_dim3A_7, %add3A_196 : vector<16xi32>
    %gather3A_198 = tpu.vector_load_idx %arg8[%add3A_193, %add3A_197] : memref<128x16xf32, #tpu.memory_space<vmem>>[vector<16xi32>, vector<16xi32>], vector<16xf32>,
    %add3A_199 = arith.constant 2 : i32
    %add3A_200 = vector.broadcast %add3A_199 : i32 to vector<16xi32>
    %add3A_201 = arith.addi %broadcast_in_dim3A_7, %add3A_200 : vector<16xi32>
    %gather3A_202 = tpu.vector_load_idx %arg8[%add3A_193, %add3A_201] : memref<128x16xf32, #tpu.memory_space<vmem>>[vector<16xi32>, vector<16xi32>], vector<16xf32>,
    %gather3A_203 = tpu.vector_load_idx %arg9[%add3A_193, %broadcast_in_dim3A_7] : memref<128x16xf32, #tpu.memory_space<vmem>>[vector<16xi32>, vector<16xi32>], vector<16xf32>,
    %add3A_204 = arith.constant 1 : i32
    %add3A_205 = vector.broadcast %add3A_204 : i32 to vector<16xi32>
    %add3A_206 = arith.addi %broadcast_in_dim3A_7, %add3A_205 : vector<16xi32>
    %gather3A_207 = tpu.vector_load_idx %arg9[%add3A_193, %add3A_206] : memref<128x16xf32, #tpu.memory_space<vmem>>[vector<16xi32>, vector<16xi32>], vector<16xf32>,
    %add3A_208 = arith.constant 2 : i32
    %add3A_209 = vector.broadcast %add3A_208 : i32 to vector<16xi32>
    %add3A_210 = arith.addi %broadcast_in_dim3A_7, %add3A_209 : vector<16xi32>
    %gather3A_211 = tpu.vector_load_idx %arg9[%add3A_193, %add3A_210] : memref<128x16xf32, #tpu.memory_space<vmem>>[vector<16xi32>, vector<16xi32>], vector<16xf32>,
    %add3A_212 = arith.constant 3 : i32
    %add3A_213 = vector.broadcast %add3A_212 : i32 to vector<16xi32>
    %add3A_214 = arith.addi %broadcast_in_dim3A_7, %add3A_213 : vector<16xi32>
    %gather3A_215 = tpu.vector_load_idx %arg9[%add3A_193, %add3A_214] : memref<128x16xf32, #tpu.memory_space<vmem>>[vector<16xi32>, vector<16xi32>], vector<16xf32>,
    %sub3A_216 = arith.subf %gather3A_194, %gather3A_203 : vector<16xf32>
    %sub3A_217 = arith.subf %gather3A_198, %gather3A_207 : vector<16xf32>
    %sub3A_218 = arith.subf %gather3A_202, %gather3A_211 : vector<16xf32>
    %mul3A_219 = arith.mulf %sub3A_216, %sub3A_216 : vector<16xf32>
    %mul3A_220 = arith.mulf %sub3A_217, %sub3A_217 : vector<16xf32>
    %add3A_221 = arith.addf %mul3A_219, %mul3A_220 : vector<16xf32>
    %mul3A_222 = arith.mulf %sub3A_218, %sub3A_218 : vector<16xf32>
    %add3A_223 = arith.addf %add3A_221, %mul3A_222 : vector<16xf32>
    %lt3A_224 = arith.constant 1.000000e+00 : f32
    %lt3A_225 = vector.broadcast %lt3A_224 : f32 to vector<16xf32>
    %lt3A_226 = arith.cmpf olt, %gather3A_215, %lt3A_225 : vector<16xf32>
    %jit3A_227 = arith.constant 0.000000e+00 : f32
    %broadcast_in_dim3A_228 = vector.broadcast %jit3A_227 : f32 to vector<16xf32>
    %select_n3A_229 = arith.select %lt3A_226, %add3A_223, %broadcast_in_dim3A_228 : vector<16xi1>, vector<16xf32>
    %add3A_230 = arith.addf %add3A_184, %select_n3A_229 : vector<16xf32>
    %jit3A_231 = arith.constant 1.000000e+00 : f32
    %jit3A_232 = arith.constant 0.000000e+00 : f32
    %broadcast_in_dim3A_233 = vector.broadcast %jit3A_231 : f32 to vector<16xf32>
    %broadcast_in_dim3A_234 = vector.broadcast %jit3A_232 : f32 to vector<16xf32>
    %select_n3A_235 = arith.select %lt3A_226, %broadcast_in_dim3A_233, %broadcast_in_dim3A_234 : vector<16xi1>, vector<16xf32>
    %add3A_236 = arith.addf %add3A_190, %select_n3A_235 : vector<16xf32>
    %add3A_237 = arith.constant 80 : i32
    %add3A_238 = vector.broadcast %add3A_237 : i32 to vector<16xi32>
    %add3A_239 = arith.addi %iota3A, %add3A_238 : vector<16xi32>
    %gather3A_240 = tpu.vector_load_idx %arg8[%add3A_239, %broadcast_in_dim3A_7] : memref<128x16xf32, #tpu.memory_space<vmem>>[vector<16xi32>, vector<16xi32>], vector<16xf32>,
    %add3A_241 = arith.constant 1 : i32
    %add3A_242 = vector.broadcast %add3A_241 : i32 to vector<16xi32>
    %add3A_243 = arith.addi %broadcast_in_dim3A_7, %add3A_242 : vector<16xi32>
    %gather3A_244 = tpu.vector_load_idx %arg8[%add3A_239, %add3A_243] : memref<128x16xf32, #tpu.memory_space<vmem>>[vector<16xi32>, vector<16xi32>], vector<16xf32>,
    %add3A_245 = arith.constant 2 : i32
    %add3A_246 = vector.broadcast %add3A_245 : i32 to vector<16xi32>
    %add3A_247 = arith.addi %broadcast_in_dim3A_7, %add3A_246 : vector<16xi32>
    %gather3A_248 = tpu.vector_load_idx %arg8[%add3A_239, %add3A_247] : memref<128x16xf32, #tpu.memory_space<vmem>>[vector<16xi32>, vector<16xi32>], vector<16xf32>,
    %gather3A_249 = tpu.vector_load_idx %arg9[%add3A_239, %broadcast_in_dim3A_7] : memref<128x16xf32, #tpu.memory_space<vmem>>[vector<16xi32>, vector<16xi32>], vector<16xf32>,
    %add3A_250 = arith.constant 1 : i32
    %add3A_251 = vector.broadcast %add3A_250 : i32 to vector<16xi32>
    %add3A_252 = arith.addi %broadcast_in_dim3A_7, %add3A_251 : vector<16xi32>
    %gather3A_253 = tpu.vector_load_idx %arg9[%add3A_239, %add3A_252] : memref<128x16xf32, #tpu.memory_space<vmem>>[vector<16xi32>, vector<16xi32>], vector<16xf32>,
    %add3A_254 = arith.constant 2 : i32
    %add3A_255 = vector.broadcast %add3A_254 : i32 to vector<16xi32>
    %add3A_256 = arith.addi %broadcast_in_dim3A_7, %add3A_255 : vector<16xi32>
    %gather3A_257 = tpu.vector_load_idx %arg9[%add3A_239, %add3A_256] : memref<128x16xf32, #tpu.memory_space<vmem>>[vector<16xi32>, vector<16xi32>], vector<16xf32>,
    %add3A_258 = arith.constant 3 : i32
    %add3A_259 = vector.broadcast %add3A_258 : i32 to vector<16xi32>
    %add3A_260 = arith.addi %broadcast_in_dim3A_7, %add3A_259 : vector<16xi32>
    %gather3A_261 = tpu.vector_load_idx %arg9[%add3A_239, %add3A_260] : memref<128x16xf32, #tpu.memory_space<vmem>>[vector<16xi32>, vector<16xi32>], vector<16xf32>,
    %sub3A_262 = arith.subf %gather3A_240, %gather3A_249 : vector<16xf32>
    %sub3A_263 = arith.subf %gather3A_244, %gather3A_253 : vector<16xf32>
    %sub3A_264 = arith.subf %gather3A_248, %gather3A_257 : vector<16xf32>
    %mul3A_265 = arith.mulf %sub3A_262, %sub3A_262 : vector<16xf32>
    %mul3A_266 = arith.mulf %sub3A_263, %sub3A_263 : vector<16xf32>
    %add3A_267 = arith.addf %mul3A_265, %mul3A_266 : vector<16xf32>
    %mul3A_268 = arith.mulf %sub3A_264, %sub3A_264 : vector<16xf32>
    %add3A_269 = arith.addf %add3A_267, %mul3A_268 : vector<16xf32>
    %lt3A_270 = arith.constant 1.000000e+00 : f32
    %lt3A_271 = vector.broadcast %lt3A_270 : f32 to vector<16xf32>
    %lt3A_272 = arith.cmpf olt, %gather3A_261, %lt3A_271 : vector<16xf32>
    %jit3A_273 = arith.constant 0.000000e+00 : f32
    %broadcast_in_dim3A_274 = vector.broadcast %jit3A_273 : f32 to vector<16xf32>
    %select_n3A_275 = arith.select %lt3A_272, %add3A_269, %broadcast_in_dim3A_274 : vector<16xi1>, vector<16xf32>
    %add3A_276 = arith.addf %add3A_230, %select_n3A_275 : vector<16xf32>
    %jit3A_277 = arith.constant 1.000000e+00 : f32
    %jit3A_278 = arith.constant 0.000000e+00 : f32
    %broadcast_in_dim3A_279 = vector.broadcast %jit3A_277 : f32 to vector<16xf32>
    %broadcast_in_dim3A_280 = vector.broadcast %jit3A_278 : f32 to vector<16xf32>
    %select_n3A_281 = arith.select %lt3A_272, %broadcast_in_dim3A_279, %broadcast_in_dim3A_280 : vector<16xi1>, vector<16xf32>
    %add3A_282 = arith.addf %add3A_236, %select_n3A_281 : vector<16xf32>
    %add3A_283 = arith.constant 96 : i32
    %add3A_284 = vector.broadcast %add3A_283 : i32 to vector<16xi32>
    %add3A_285 = arith.addi %iota3A, %add3A_284 : vector<16xi32>
    %gather3A_286 = tpu.vector_load_idx %arg8[%add3A_285, %broadcast_in_dim3A_7] : memref<128x16xf32, #tpu.memory_space<vmem>>[vector<16xi32>, vector<16xi32>], vector<16xf32>,
    %add3A_287 = arith.constant 1 : i32
    %add3A_288 = vector.broadcast %add3A_287 : i32 to vector<16xi32>
    %add3A_289 = arith.addi %broadcast_in_dim3A_7, %add3A_288 : vector<16xi32>
    %gather3A_290 = tpu.vector_load_idx %arg8[%add3A_285, %add3A_289] : memref<128x16xf32, #tpu.memory_space<vmem>>[vector<16xi32>, vector<16xi32>], vector<16xf32>,
    %add3A_291 = arith.constant 2 : i32
    %add3A_292 = vector.broadcast %add3A_291 : i32 to vector<16xi32>
    %add3A_293 = arith.addi %broadcast_in_dim3A_7, %add3A_292 : vector<16xi32>
    %gather3A_294 = tpu.vector_load_idx %arg8[%add3A_285, %add3A_293] : memref<128x16xf32, #tpu.memory_space<vmem>>[vector<16xi32>, vector<16xi32>], vector<16xf32>,
    %gather3A_295 = tpu.vector_load_idx %arg9[%add3A_285, %broadcast_in_dim3A_7] : memref<128x16xf32, #tpu.memory_space<vmem>>[vector<16xi32>, vector<16xi32>], vector<16xf32>,
    %add3A_296 = arith.constant 1 : i32
    %add3A_297 = vector.broadcast %add3A_296 : i32 to vector<16xi32>
    %add3A_298 = arith.addi %broadcast_in_dim3A_7, %add3A_297 : vector<16xi32>
    %gather3A_299 = tpu.vector_load_idx %arg9[%add3A_285, %add3A_298] : memref<128x16xf32, #tpu.memory_space<vmem>>[vector<16xi32>, vector<16xi32>], vector<16xf32>,
    %add3A_300 = arith.constant 2 : i32
    %add3A_301 = vector.broadcast %add3A_300 : i32 to vector<16xi32>
    %add3A_302 = arith.addi %broadcast_in_dim3A_7, %add3A_301 : vector<16xi32>
    %gather3A_303 = tpu.vector_load_idx %arg9[%add3A_285, %add3A_302] : memref<128x16xf32, #tpu.memory_space<vmem>>[vector<16xi32>, vector<16xi32>], vector<16xf32>,
    %add3A_304 = arith.constant 3 : i32
    %add3A_305 = vector.broadcast %add3A_304 : i32 to vector<16xi32>
    %add3A_306 = arith.addi %broadcast_in_dim3A_7, %add3A_305 : vector<16xi32>
    %gather3A_307 = tpu.vector_load_idx %arg9[%add3A_285, %add3A_306] : memref<128x16xf32, #tpu.memory_space<vmem>>[vector<16xi32>, vector<16xi32>], vector<16xf32>,
    %sub3A_308 = arith.subf %gather3A_286, %gather3A_295 : vector<16xf32>
    %sub3A_309 = arith.subf %gather3A_290, %gather3A_299 : vector<16xf32>
    %sub3A_310 = arith.subf %gather3A_294, %gather3A_303 : vector<16xf32>
    %mul3A_311 = arith.mulf %sub3A_308, %sub3A_308 : vector<16xf32>
    %mul3A_312 = arith.mulf %sub3A_309, %sub3A_309 : vector<16xf32>
    %add3A_313 = arith.addf %mul3A_311, %mul3A_312 : vector<16xf32>
    %mul3A_314 = arith.mulf %sub3A_310, %sub3A_310 : vector<16xf32>
    %add3A_315 = arith.addf %add3A_313, %mul3A_314 : vector<16xf32>
    %lt3A_316 = arith.constant 1.000000e+00 : f32
    %lt3A_317 = vector.broadcast %lt3A_316 : f32 to vector<16xf32>
    %lt3A_318 = arith.cmpf olt, %gather3A_307, %lt3A_317 : vector<16xf32>
    %jit3A_319 = arith.constant 0.000000e+00 : f32
    %broadcast_in_dim3A_320 = vector.broadcast %jit3A_319 : f32 to vector<16xf32>
    %select_n3A_321 = arith.select %lt3A_318, %add3A_315, %broadcast_in_dim3A_320 : vector<16xi1>, vector<16xf32>
    %add3A_322 = arith.addf %add3A_276, %select_n3A_321 : vector<16xf32>
    %jit3A_323 = arith.constant 1.000000e+00 : f32
    %jit3A_324 = arith.constant 0.000000e+00 : f32
    %broadcast_in_dim3A_325 = vector.broadcast %jit3A_323 : f32 to vector<16xf32>
    %broadcast_in_dim3A_326 = vector.broadcast %jit3A_324 : f32 to vector<16xf32>
    %select_n3A_327 = arith.select %lt3A_318, %broadcast_in_dim3A_325, %broadcast_in_dim3A_326 : vector<16xi1>, vector<16xf32>
    %add3A_328 = arith.addf %add3A_282, %select_n3A_327 : vector<16xf32>
    %add3A_329 = arith.constant 112 : i32
    %add3A_330 = vector.broadcast %add3A_329 : i32 to vector<16xi32>
    %add3A_331 = arith.addi %iota3A, %add3A_330 : vector<16xi32>
    %gather3A_332 = tpu.vector_load_idx %arg8[%add3A_331, %broadcast_in_dim3A_7] : memref<128x16xf32, #tpu.memory_space<vmem>>[vector<16xi32>, vector<16xi32>], vector<16xf32>,
    %add3A_333 = arith.constant 1 : i32
    %add3A_334 = vector.broadcast %add3A_333 : i32 to vector<16xi32>
    %add3A_335 = arith.addi %broadcast_in_dim3A_7, %add3A_334 : vector<16xi32>
    %gather3A_336 = tpu.vector_load_idx %arg8[%add3A_331, %add3A_335] : memref<128x16xf32, #tpu.memory_space<vmem>>[vector<16xi32>, vector<16xi32>], vector<16xf32>,
    %add3A_337 = arith.constant 2 : i32
    %add3A_338 = vector.broadcast %add3A_337 : i32 to vector<16xi32>
    %add3A_339 = arith.addi %broadcast_in_dim3A_7, %add3A_338 : vector<16xi32>
    %gather3A_340 = tpu.vector_load_idx %arg8[%add3A_331, %add3A_339] : memref<128x16xf32, #tpu.memory_space<vmem>>[vector<16xi32>, vector<16xi32>], vector<16xf32>,
    %gather3A_341 = tpu.vector_load_idx %arg9[%add3A_331, %broadcast_in_dim3A_7] : memref<128x16xf32, #tpu.memory_space<vmem>>[vector<16xi32>, vector<16xi32>], vector<16xf32>,
    %add3A_342 = arith.constant 1 : i32
    %add3A_343 = vector.broadcast %add3A_342 : i32 to vector<16xi32>
    %add3A_344 = arith.addi %broadcast_in_dim3A_7, %add3A_343 : vector<16xi32>
    %gather3A_345 = tpu.vector_load_idx %arg9[%add3A_331, %add3A_344] : memref<128x16xf32, #tpu.memory_space<vmem>>[vector<16xi32>, vector<16xi32>], vector<16xf32>,
    %add3A_346 = arith.constant 2 : i32
    %add3A_347 = vector.broadcast %add3A_346 : i32 to vector<16xi32>
    %add3A_348 = arith.addi %broadcast_in_dim3A_7, %add3A_347 : vector<16xi32>
    %gather3A_349 = tpu.vector_load_idx %arg9[%add3A_331, %add3A_348] : memref<128x16xf32, #tpu.memory_space<vmem>>[vector<16xi32>, vector<16xi32>], vector<16xf32>,
    %add3A_350 = arith.constant 3 : i32
    %add3A_351 = vector.broadcast %add3A_350 : i32 to vector<16xi32>
    %add3A_352 = arith.addi %broadcast_in_dim3A_7, %add3A_351 : vector<16xi32>
    %gather3A_353 = tpu.vector_load_idx %arg9[%add3A_331, %add3A_352] : memref<128x16xf32, #tpu.memory_space<vmem>>[vector<16xi32>, vector<16xi32>], vector<16xf32>,
    %sub3A_354 = arith.subf %gather3A_332, %gather3A_341 : vector<16xf32>
    %sub3A_355 = arith.subf %gather3A_336, %gather3A_345 : vector<16xf32>
    %sub3A_356 = arith.subf %gather3A_340, %gather3A_349 : vector<16xf32>
    %mul3A_357 = arith.mulf %sub3A_354, %sub3A_354 : vector<16xf32>
    %mul3A_358 = arith.mulf %sub3A_355, %sub3A_355 : vector<16xf32>
    %add3A_359 = arith.addf %mul3A_357, %mul3A_358 : vector<16xf32>
    %mul3A_360 = arith.mulf %sub3A_356, %sub3A_356 : vector<16xf32>
    %add3A_361 = arith.addf %add3A_359, %mul3A_360 : vector<16xf32>
    %lt3A_362 = arith.constant 1.000000e+00 : f32
    %lt3A_363 = vector.broadcast %lt3A_362 : f32 to vector<16xf32>
    %lt3A_364 = arith.cmpf olt, %gather3A_353, %lt3A_363 : vector<16xf32>
    %jit3A_365 = arith.constant 0.000000e+00 : f32
    %broadcast_in_dim3A_366 = vector.broadcast %jit3A_365 : f32 to vector<16xf32>
    %select_n3A_367 = arith.select %lt3A_364, %add3A_361, %broadcast_in_dim3A_366 : vector<16xi1>, vector<16xf32>
    %add3A_368 = arith.addf %add3A_322, %select_n3A_367 : vector<16xf32>
    %jit3A_369 = arith.constant 1.000000e+00 : f32
    %jit3A_370 = arith.constant 0.000000e+00 : f32
    %broadcast_in_dim3A_371 = vector.broadcast %jit3A_369 : f32 to vector<16xf32>
    %broadcast_in_dim3A_372 = vector.broadcast %jit3A_370 : f32 to vector<16xf32>
    %select_n3A_373 = arith.select %lt3A_364, %broadcast_in_dim3A_371, %broadcast_in_dim3A_372 : vector<16xi1>, vector<16xf32>
    %add3A_374 = arith.addf %add3A_328, %select_n3A_373 : vector<16xf32>
    %swap3A = arith.constant 0 : index
    %swap3A_375 = tpu.vector_load %arg10[%swap3A] {strides = array<i32>} : memref<16xf32, #tpu.memory_space<vmem>>, vector<16xf32>,
    tpu.vector_store %arg10[%swap3A], %add3A_368 {strides = array<i32>} : memref<16xf32, #tpu.memory_space<vmem>>, vector<16xf32>,
    "tpu.region"() ({
      %run_scoped3A = tpu.sem_alloc : memref<!tpu.dma_semaphore, #tpu.memory_space<semaphore_mem>>
      %dma_start3A_378 = arith.constant 0 : i32
      %dma_start3A_379 = tpu.memref_slice %arg5[%add3A, %dma_start3A_378] : memref<32x16xf32, #tpu.memory_space<hbm>> -> memref<1x16xf32, #tpu.memory_space<hbm>>
      %dma_start3A_380 = tpu.memref_squeeze %dma_start3A_379 : memref<1x16xf32, #tpu.memory_space<hbm>> -> memref<16xf32, #tpu.memory_space<hbm>>
      %dma_start3A_381 = arith.constant 0 : i32
      %dma_start3A_382 = tpu.memref_slice %arg5[%add3A, %dma_start3A_381] : memref<32x16xf32, #tpu.memory_space<hbm>> -> memref<1x16xf32, #tpu.memory_space<hbm>>
      %dma_start3A_383 = tpu.memref_squeeze %dma_start3A_382 : memref<1x16xf32, #tpu.memory_space<hbm>> -> memref<16xf32, #tpu.memory_space<hbm>>
      tpu.enqueue_dma source(%arg10 : memref<16xf32, #tpu.memory_space<vmem>>) target(%dma_start3A_383 : memref<16xf32, #tpu.memory_space<hbm>>) target_semaphore(%run_scoped3A : memref<!tpu.dma_semaphore, #tpu.memory_space<semaphore_mem>>)
      %dma_wait3A_384 = arith.constant 0 : i32
      %dma_wait3A_385 = tpu.memref_slice %arg5[%add3A, %dma_wait3A_384] : memref<32x16xf32, #tpu.memory_space<hbm>> -> memref<1x16xf32, #tpu.memory_space<hbm>>
      %dma_wait3A_386 = tpu.memref_squeeze %dma_wait3A_385 : memref<1x16xf32, #tpu.memory_space<hbm>> -> memref<16xf32, #tpu.memory_space<hbm>>
      %dma_wait3A_387 = arith.constant 0 : i32
      %dma_wait3A_388 = tpu.memref_slice %arg5[%add3A, %dma_wait3A_387] : memref<32x16xf32, #tpu.memory_space<hbm>> -> memref<1x16xf32, #tpu.memory_space<hbm>>
      %dma_wait3A_389 = tpu.memref_squeeze %dma_wait3A_388 : memref<1x16xf32, #tpu.memory_space<hbm>> -> memref<16xf32, #tpu.memory_space<hbm>>
      tpu.wait_dma2 semaphore(%run_scoped3A : memref<!tpu.dma_semaphore, #tpu.memory_space<semaphore_mem>>) src(%arg10 : memref<16xf32, #tpu.memory_space<vmem>>) dst(%dma_wait3A_389 : memref<16xf32, #tpu.memory_space<hbm>>)
      tpu.yield
    }) : () -> ()
    %swap3A_376 = arith.constant 0 : index
    %swap3A_377 = tpu.vector_load %arg10[%swap3A_376] {strides = array<i32>} : memref<16xf32, #tpu.memory_space<vmem>>, vector<16xf32>,
    tpu.vector_store %arg10[%swap3A_376], %add3A_374 {strides = array<i32>} : memref<16xf32, #tpu.memory_space<vmem>>, vector<16xf32>,
    "tpu.region"() ({
      %run_scoped3A = tpu.sem_alloc : memref<!tpu.dma_semaphore, #tpu.memory_space<semaphore_mem>>
      %dma_start3A_378 = arith.constant 0 : i32
      %dma_start3A_379 = tpu.memref_slice %arg6[%add3A, %dma_start3A_378] : memref<32x16xf32, #tpu.memory_space<hbm>> -> memref<1x16xf32, #tpu.memory_space<hbm>>
      %dma_start3A_380 = tpu.memref_squeeze %dma_start3A_379 : memref<1x16xf32, #tpu.memory_space<hbm>> -> memref<16xf32, #tpu.memory_space<hbm>>
      %dma_start3A_381 = arith.constant 0 : i32
      %dma_start3A_382 = tpu.memref_slice %arg6[%add3A, %dma_start3A_381] : memref<32x16xf32, #tpu.memory_space<hbm>> -> memref<1x16xf32, #tpu.memory_space<hbm>>
      %dma_start3A_383 = tpu.memref_squeeze %dma_start3A_382 : memref<1x16xf32, #tpu.memory_space<hbm>> -> memref<16xf32, #tpu.memory_space<hbm>>
      tpu.enqueue_dma source(%arg10 : memref<16xf32, #tpu.memory_space<vmem>>) target(%dma_start3A_383 : memref<16xf32, #tpu.memory_space<hbm>>) target_semaphore(%run_scoped3A : memref<!tpu.dma_semaphore, #tpu.memory_space<semaphore_mem>>)
      %dma_wait3A_384 = arith.constant 0 : i32
      %dma_wait3A_385 = tpu.memref_slice %arg6[%add3A, %dma_wait3A_384] : memref<32x16xf32, #tpu.memory_space<hbm>> -> memref<1x16xf32, #tpu.memory_space<hbm>>
      %dma_wait3A_386 = tpu.memref_squeeze %dma_wait3A_385 : memref<1x16xf32, #tpu.memory_space<hbm>> -> memref<16xf32, #tpu.memory_space<hbm>>
      %dma_wait3A_387 = arith.constant 0 : i32
      %dma_wait3A_388 = tpu.memref_slice %arg6[%add3A, %dma_wait3A_387] : memref<32x16xf32, #tpu.memory_space<hbm>> -> memref<1x16xf32, #tpu.memory_space<hbm>>
      %dma_wait3A_389 = tpu.memref_squeeze %dma_wait3A_388 : memref<1x16xf32, #tpu.memory_space<hbm>> -> memref<16xf32, #tpu.memory_space<hbm>>
      tpu.wait_dma2 semaphore(%run_scoped3A : memref<!tpu.dma_semaphore, #tpu.memory_space<semaphore_mem>>) src(%arg10 : memref<16xf32, #tpu.memory_space<vmem>>) dst(%dma_wait3A_389 : memref<16xf32, #tpu.memory_space<hbm>>)
      tpu.yield
    }) : () -> ()
    return
  }
}

module attributes {stable_mosaic.version = 14 : i64} {
  func.func @_min_kernel(%arg0: i32, %arg1: i32, %arg2: memref<4x3xbf16, #tpu.memory_space<vmem>>, %arg3: memref<4096x4xbf16, #tpu.memory_space<vmem>>, %arg4: memref<1x9x512xbf16, #tpu.memory_space<vmem>>, %arg5: memref<4096x16xf32, #tpu.memory_space<vmem>>, %arg6: memref<4096x1xi32, #tpu.memory_space<vmem>>, %arg7: memref<4096x9xbf16, #tpu.memory_space<vmem>>, %arg8: memref<4096x512xf32, #tpu.memory_space<vmem>>) attributes {dimension_semantics = [#tpu.dimension_semantics<arbitrary>, #tpu.dimension_semantics<arbitrary>], iteration_bounds = array<i64: 1, 98>, scalar_prefetch = 0 : i64, scratch_operands = 2 : i64, tpu.core_type = #tpu.core_type<tc>, window_params = [{pipeline_mode = #tpu.pipeline_mode<synchronous>, transform_indices = @transform_0, window_bounds = array<i64: 4, 3>}, {transform_indices = @transform_1, window_bounds = array<i64: 4096, 4>}, {transform_indices = @transform_2, window_bounds = array<i64: 1, 9, 512>}, {pipeline_mode = #tpu.pipeline_mode<synchronous>, transform_indices = @transform_3, window_bounds = array<i64: 4096, 16>}, {pipeline_mode = #tpu.pipeline_mode<synchronous>, transform_indices = @transform_4, window_bounds = array<i64: 4096, 1>}]} {
    %mul3A = arith.constant 4096 : i32
    %mul3A_0 = arith.muli %arg0, %mul3A : i32
    %eq3A = arith.constant 0 : i32
    %eq3A_1 = arith.cmpi eq, %arg1, %eq3A : i32
    %convert_element_type3A = arith.extui %eq3A_1 : i1 to i32
    %cond3A = arith.constant 0 : i32
    %cond3A_2 = arith.cmpi ne, %convert_element_type3A, %cond3A : i32
    scf.if %cond3A_2 {
      %get3A_27 = arith.constant 0 : index
      %get3A_28 = arith.constant 0 : index
      %get3A_29 = vector.load %arg3[%get3A_27, %get3A_28] : memref<4096x4xbf16, #tpu.memory_space<vmem>>, vector<4096x4xbf16>
      %get3A_30 = arith.constant 0 : index
      %get3A_31 = arith.constant 0 : index
      %get3A_32 = vector.load %arg2[%get3A_30, %get3A_31] : memref<4x3xbf16, #tpu.memory_space<vmem>>, vector<4x3xbf16>
      %dot_general3A_33 = arith.constant dense<0.000000e+00> : vector<4096x3xf32>
      %dot_general3A_34 = tpu.matmul %get3A_29, %get3A_32, %dot_general3A_33 {dimension_numbers = #tpu.dot_dimension_numbers<[1], [0], [0], [1], [0, 0, 1, 1], [], []>, transpose_lhs_hint = false} : vector<4096x4xbf16>, vector<4x3xbf16>, vector<4096x3xf32> -> vector<4096x3xf32>
      %swap3A_35 = arith.index_cast %mul3A_0 : i32 to index
      %swap3A_36 = arith.constant 0 : index
      %swap3A_37 = vector.load %arg5[%swap3A_35, %swap3A_36] : memref<4096x16xf32, #tpu.memory_space<vmem>>, vector<4096x3xf32>
      tpu.vector_store %arg5[%swap3A_35, %swap3A_36], %dot_general3A_34 {strides = array<i32>} : memref<4096x16xf32, #tpu.memory_space<vmem>>, vector<4096x3xf32>,
      %mul3A_38 = arith.constant -2.000000e+00 : f32
      %mul3A_39 = vector.broadcast %mul3A_38 : f32 to vector<4096x3xf32>
      %mul3A_40 = arith.mulf %mul3A_39, %dot_general3A_34 : vector<4096x3xf32>
      %convert_element_type3A_41 = arith.truncf %mul3A_40 : vector<4096x3xf32> to vector<4096x3xbf16>
      %swap3A_42 = arith.constant 0 : index
      %swap3A_43 = arith.constant 0 : index
      %swap3A_44 = vector.load %arg7[%swap3A_42, %swap3A_43] : memref<4096x9xbf16, #tpu.memory_space<vmem>>, vector<4096x3xbf16>
      tpu.vector_store %arg7[%swap3A_42, %swap3A_43], %convert_element_type3A_41 {strides = array<i32>} : memref<4096x9xbf16, #tpu.memory_space<vmem>>, vector<4096x3xbf16>,
      %broadcast_in_dim3A = arith.constant 1.000000e+00 : bf16
      %broadcast_in_dim3A_45 = vector.broadcast %broadcast_in_dim3A : bf16 to vector<4096x3xbf16>
      %swap3A_46 = arith.constant 0 : index
      %swap3A_47 = arith.constant 3 : index
      %swap3A_48 = vector.load %arg7[%swap3A_46, %swap3A_47] : memref<4096x9xbf16, #tpu.memory_space<vmem>>, vector<4096x3xbf16>
      tpu.vector_store %arg7[%swap3A_46, %swap3A_47], %broadcast_in_dim3A_45 {strides = array<i32>} : memref<4096x9xbf16, #tpu.memory_space<vmem>>, vector<4096x3xbf16>,
      %mul3A_49 = arith.mulf %dot_general3A_34, %dot_general3A_34 : vector<4096x3xf32>
      %reduce_sum3A = arith.constant dense<0.000000e+00> : vector<4096xf32>
      %reduce_sum3A_50 = vector.multi_reduction <add>, %mul3A_49, %reduce_sum3A [1] : vector<4096x3xf32> to vector<4096xf32>
      %broadcast_in_dim3A_51 = vector.shape_cast %reduce_sum3A_50 : vector<4096xf32> to vector<4096x1xf32>
      %convert_element_type3A_52 = arith.truncf %broadcast_in_dim3A_51 : vector<4096x1xf32> to vector<4096x1xbf16>
      %swap3A_53 = arith.constant 0 : index
      %swap3A_54 = arith.constant 6 : index
      %swap3A_55 = vector.load %arg7[%swap3A_53, %swap3A_54] : memref<4096x9xbf16, #tpu.memory_space<vmem>>, vector<4096x1xbf16>
      tpu.vector_store %arg7[%swap3A_53, %swap3A_54], %convert_element_type3A_52 {strides = array<i32>} : memref<4096x9xbf16, #tpu.memory_space<vmem>>, vector<4096x1xbf16>,
      %get3A_56 = arith.constant 0 : index
      %get3A_57 = arith.constant 6 : index
      %get3A_58 = vector.load %arg7[%get3A_56, %get3A_57] : memref<4096x9xbf16, #tpu.memory_space<vmem>>, vector<4096x1xbf16>
      %convert_element_type3A_59 = arith.extf %get3A_58 : vector<4096x1xbf16> to vector<4096x1xf32>
      %sub3A = arith.subf %broadcast_in_dim3A_51, %convert_element_type3A_59 : vector<4096x1xf32>
      %convert_element_type3A_60 = arith.truncf %sub3A : vector<4096x1xf32> to vector<4096x1xbf16>
      %swap3A_61 = arith.constant 0 : index
      %swap3A_62 = arith.constant 7 : index
      %swap3A_63 = vector.load %arg7[%swap3A_61, %swap3A_62] : memref<4096x9xbf16, #tpu.memory_space<vmem>>, vector<4096x1xbf16>
      tpu.vector_store %arg7[%swap3A_61, %swap3A_62], %convert_element_type3A_60 {strides = array<i32>} : memref<4096x9xbf16, #tpu.memory_space<vmem>>, vector<4096x1xbf16>,
      %get3A_64 = arith.constant 0 : index
      %get3A_65 = arith.constant 7 : index
      %get3A_66 = vector.load %arg7[%get3A_64, %get3A_65] : memref<4096x9xbf16, #tpu.memory_space<vmem>>, vector<4096x1xbf16>
      %convert_element_type3A_67 = arith.extf %get3A_66 : vector<4096x1xbf16> to vector<4096x1xf32>
      %sub3A_68 = arith.subf %sub3A, %convert_element_type3A_67 : vector<4096x1xf32>
      %convert_element_type3A_69 = arith.truncf %sub3A_68 : vector<4096x1xf32> to vector<4096x1xbf16>
      %swap3A_70 = arith.constant 0 : index
      %swap3A_71 = arith.constant 8 : index
      %swap3A_72 = vector.load %arg7[%swap3A_70, %swap3A_71] : memref<4096x9xbf16, #tpu.memory_space<vmem>>, vector<4096x1xbf16>
      tpu.vector_store %arg7[%swap3A_70, %swap3A_71], %convert_element_type3A_69 {strides = array<i32>} : memref<4096x9xbf16, #tpu.memory_space<vmem>>, vector<4096x1xbf16>,
      %broadcast_in_dim3A_73 = arith.constant 3.000000e+38 : f32
      %broadcast_in_dim3A_74 = vector.broadcast %broadcast_in_dim3A_73 : f32 to vector<4096x512xf32>
      %swap3A_75 = arith.constant 0 : index
      %swap3A_76 = arith.constant 0 : index
      %swap3A_77 = vector.load %arg8[%swap3A_75, %swap3A_76] : memref<4096x512xf32, #tpu.memory_space<vmem>>, vector<4096x512xf32>
      tpu.vector_store %arg8[%swap3A_75, %swap3A_76], %broadcast_in_dim3A_74 {strides = array<i32>} : memref<4096x512xf32, #tpu.memory_space<vmem>>, vector<4096x512xf32>,
    } else {
    }
    %get3A = arith.constant 0 : index
    %get3A_3 = arith.constant 0 : index
    %get3A_4 = vector.load %arg7[%get3A, %get3A_3] : memref<4096x9xbf16, #tpu.memory_space<vmem>>, vector<4096x9xbf16>
    %get3A_5 = arith.constant 0 : index
    %get3A_6 = arith.constant 0 : index
    %get3A_7 = arith.constant 0 : index
    %get3A_8 = vector.load %arg4[%get3A_5, %get3A_6, %get3A_7] : memref<1x9x512xbf16, #tpu.memory_space<vmem>>, vector<1x9x512xbf16>
    %get3A_9 = vector.shape_cast %get3A_8 : vector<1x9x512xbf16> to vector<9x512xbf16>
    %dot_general3A = arith.constant dense<0.000000e+00> : vector<4096x512xf32>
    %dot_general3A_10 = tpu.matmul %get3A_4, %get3A_9, %dot_general3A {dimension_numbers = #tpu.dot_dimension_numbers<[1], [0], [0], [1], [0, 0, 1, 1], [], []>, transpose_lhs_hint = false} : vector<4096x9xbf16>, vector<9x512xbf16>, vector<4096x512xf32> -> vector<4096x512xf32>
    %max3A = arith.constant 9.99999996E-13 : f32
    %max3A_11 = vector.broadcast %max3A : f32 to vector<4096x512xf32>
    %max3A_12 = arith.maximumf %dot_general3A_10, %max3A_11 : vector<4096x512xf32>
    %bitcast_convert_type3A = tpu.bitcast %max3A_12 : vector<4096x512xf32> -> vector<4096x512xi32>
    %and3A = arith.constant -128 : i32
    %and3A_13 = vector.broadcast %and3A : i32 to vector<4096x512xi32>
    %and3A_14 = arith.andi %bitcast_convert_type3A, %and3A_13 : vector<4096x512xi32>
    %or3A = vector.broadcast %arg1 : i32 to vector<4096x512xi32>
    %or3A_15 = arith.ori %and3A_14, %or3A : vector<4096x512xi32>
    %bitcast_convert_type3A_16 = tpu.bitcast %or3A_15 : vector<4096x512xi32> -> vector<4096x512xf32>
    %get3A_17 = arith.constant 0 : index
    %get3A_18 = arith.constant 0 : index
    %get3A_19 = vector.load %arg8[%get3A_17, %get3A_18] : memref<4096x512xf32, #tpu.memory_space<vmem>>, vector<4096x512xf32>
    %min3A = arith.minimumf %get3A_19, %bitcast_convert_type3A_16 : vector<4096x512xf32>
    %swap3A = arith.constant 0 : index
    %swap3A_20 = arith.constant 0 : index
    %swap3A_21 = vector.load %arg8[%swap3A, %swap3A_20] : memref<4096x512xf32, #tpu.memory_space<vmem>>, vector<4096x512xf32>
    tpu.vector_store %arg8[%swap3A, %swap3A_20], %min3A {strides = array<i32>} : memref<4096x512xf32, #tpu.memory_space<vmem>>, vector<4096x512xf32>,
    %eq3A_22 = arith.constant 97 : i32
    %eq3A_23 = arith.cmpi eq, %arg1, %eq3A_22 : i32
    %convert_element_type3A_24 = arith.extui %eq3A_23 : i1 to i32
    %cond3A_25 = arith.constant 0 : i32
    %cond3A_26 = arith.cmpi ne, %convert_element_type3A_24, %cond3A_25 : i32
    scf.if %cond3A_26 {
      %get3A_27 = arith.constant 0 : index
      %get3A_28 = arith.constant 0 : index
      %get3A_29 = vector.load %arg8[%get3A_27, %get3A_28] : memref<4096x512xf32, #tpu.memory_space<vmem>>, vector<4096x512xf32>
      %bitcast_convert_type3A_30 = tpu.bitcast %get3A_29 : vector<4096x512xf32> -> vector<4096x512xi32>
      %and3A_31 = arith.constant 127 : i32
      %and3A_32 = vector.broadcast %and3A_31 : i32 to vector<4096x512xi32>
      %and3A_33 = arith.andi %bitcast_convert_type3A_30, %and3A_32 : vector<4096x512xi32>
      %and3A_34 = arith.constant -128 : i32
      %and3A_35 = vector.broadcast %and3A_34 : i32 to vector<4096x512xi32>
      %and3A_36 = arith.andi %bitcast_convert_type3A_30, %and3A_35 : vector<4096x512xi32>
      %bitcast_convert_type3A_37 = tpu.bitcast %and3A_36 : vector<4096x512xi32> -> vector<4096x512xf32>
      %reduce_min3A = arith.constant dense<0x7F800000> : vector<4096xf32>
      %reduce_min3A_38 = vector.multi_reduction <minimumf>, %bitcast_convert_type3A_37, %reduce_min3A [1] : vector<4096x512xf32> to vector<4096xf32>
      %broadcast_in_dim3A = vector.shape_cast %reduce_min3A_38 : vector<4096xf32> to vector<4096x1xf32>
      %iota3A = tpu.iota {dimensions = array<i32: 1>} : vector<4096x512xi32>
      %mul3A_39 = arith.constant 512 : i32
      %mul3A_40 = vector.broadcast %mul3A_39 : i32 to vector<4096x512xi32>
      %mul3A_41 = arith.muli %and3A_33, %mul3A_40 : vector<4096x512xi32>
      %add3A = arith.addi %mul3A_41, %iota3A : vector<4096x512xi32>
      %eq3A_42 = vector.broadcast %broadcast_in_dim3A : vector<4096x1xf32> to vector<4096x512xf32>
      %eq3A_43 = arith.cmpf oeq, %bitcast_convert_type3A_37, %eq3A_42 : vector<4096x512xf32>
      %jit3A = arith.constant 1073741824 : i32
      %broadcast_in_dim3A_44 = vector.broadcast %jit3A : i32 to vector<4096x512xi32>
      %select_n3A = arith.select %eq3A_43, %add3A, %broadcast_in_dim3A_44 : vector<4096x512xi1>, vector<4096x512xi32>
      %reduce_min3A_45 = arith.constant dense<2147483647> : vector<4096xi32>
      %reduce_min3A_46 = vector.multi_reduction <minsi>, %select_n3A, %reduce_min3A_45 [1] : vector<4096x512xi32> to vector<4096xi32>
      %broadcast_in_dim3A_47 = vector.shape_cast %reduce_min3A_46 : vector<4096xi32> to vector<4096x1xi32>
      %swap3A_48 = arith.index_cast %mul3A_0 : i32 to index
      %swap3A_49 = arith.constant 0 : index
      %swap3A_50 = vector.load %arg6[%swap3A_48, %swap3A_49] : memref<4096x1xi32, #tpu.memory_space<vmem>>, vector<4096x1xi32>
      tpu.vector_store %arg6[%swap3A_48, %swap3A_49], %broadcast_in_dim3A_47 {strides = array<i32>} : memref<4096x1xi32, #tpu.memory_space<vmem>>, vector<4096x1xi32>,
      %swap3A_51 = arith.index_cast %mul3A_0 : i32 to index
      %swap3A_52 = arith.constant 3 : index
      %swap3A_53 = vector.load %arg5[%swap3A_51, %swap3A_52] : memref<4096x16xf32, #tpu.memory_space<vmem>>, vector<4096x1xf32>
      tpu.vector_store %arg5[%swap3A_51, %swap3A_52], %broadcast_in_dim3A {strides = array<i32>} : memref<4096x16xf32, #tpu.memory_space<vmem>>, vector<4096x1xf32>,
    } else {
    }
    return
  }
  func.func @transform_0(%arg0: i32, %arg1: i32) -> (i32, i32) {
    %c0_i32 = arith.constant 0 : i32
    %c0_i32_0 = arith.constant 0 : i32
    %c0_i32_1 = arith.constant 0 : i32
    return %c0_i32, %c0_i32_0 : i32, i32
  }
  func.func @transform_1(%arg0: i32, %arg1: i32) -> (i32, i32) {
    %c0_i32 = arith.constant 0 : i32
    %c0_i32_0 = arith.constant 0 : i32
    return %arg0, %c0_i32 : i32, i32
  }
  func.func @transform_2(%arg0: i32, %arg1: i32) -> (i32, i32, i32) {
    %c0_i32 = arith.constant 0 : i32
    %c0_i32_0 = arith.constant 0 : i32
    %c0_i32_1 = arith.constant 0 : i32
    return %arg1, %c0_i32, %c0_i32_0 : i32, i32, i32
  }
  func.func @transform_3(%arg0: i32, %arg1: i32) -> (i32, i32) {
    %c0_i32 = arith.constant 0 : i32
    %c0_i32_0 = arith.constant 0 : i32
    %c0_i32_1 = arith.constant 0 : i32
    return %c0_i32, %c0_i32_0 : i32, i32
  }
  func.func @transform_4(%arg0: i32, %arg1: i32) -> (i32, i32) {
    %c0_i32 = arith.constant 0 : i32
    %c0_i32_0 = arith.constant 0 : i32
    %c0_i32_1 = arith.constant 0 : i32
    return %c0_i32, %c0_i32_0 : i32, i32
  }
}

module attributes {stable_mosaic.version = 14 : i64} {
  func.func @_finish_kernel(%arg0: memref<32x16xf32, #tpu.memory_space<vmem>>, %arg1: memref<32x16xf32, #tpu.memory_space<vmem>>, %arg2: memref<1x1xf32, #tpu.memory_space<smem>>) attributes {dimension_semantics = [], scalar_prefetch = 0 : i64, scratch_operands = 0 : i64, tpu.core_type = #tpu.core_type<tc>} {
    %get3A = arith.constant 0 : index
    %get3A_0 = arith.constant 0 : index
    %get3A_1 = vector.load %arg0[%get3A, %get3A_0] : memref<32x16xf32, #tpu.memory_space<vmem>>, vector<32x16xf32>
    %reduce_sum3A = vector.shape_cast %get3A_1 : vector<32x16xf32> to vector<1x32x16xf32>
    %reduce_sum3A_2 = arith.constant dense<0.000000e+00> : vector<1xf32>
    %reduce_sum3A_3 = vector.multi_reduction <add>, %reduce_sum3A, %reduce_sum3A_2 [1, 2] : vector<1x32x16xf32> to vector<1xf32>
    %reduce_sum3A_4 = vector.shape_cast %reduce_sum3A_3 : vector<1xf32> to vector<1x1x1xf32>
    %reduce_sum3A_5 = vector.extract %reduce_sum3A_4[0, 0, 0] : f32 from vector<1x1x1xf32>
    %get3A_6 = arith.constant 0 : index
    %get3A_7 = arith.constant 0 : index
    %get3A_8 = vector.load %arg1[%get3A_6, %get3A_7] : memref<32x16xf32, #tpu.memory_space<vmem>>, vector<32x16xf32>
    %reduce_sum3A_9 = vector.shape_cast %get3A_8 : vector<32x16xf32> to vector<1x32x16xf32>
    %reduce_sum3A_10 = arith.constant dense<0.000000e+00> : vector<1xf32>
    %reduce_sum3A_11 = vector.multi_reduction <add>, %reduce_sum3A_9, %reduce_sum3A_10 [1, 2] : vector<1x32x16xf32> to vector<1xf32>
    %reduce_sum3A_12 = vector.shape_cast %reduce_sum3A_11 : vector<1xf32> to vector<1x1x1xf32>
    %reduce_sum3A_13 = vector.extract %reduce_sum3A_12[0, 0, 0] : f32 from vector<1x1x1xf32>
    %mul3A = arith.constant 1.000000e+00 : f32
    %mul3A_14 = arith.mulf %mul3A, %reduce_sum3A_5 : f32
    %mul3A_15 = arith.constant 3.000000e+00 : f32
    %mul3A_16 = arith.mulf %mul3A_15, %reduce_sum3A_13 : f32
    %max3A = arith.constant 1.000000e+00 : f32
    %max3A_17 = arith.maximumf %mul3A_16, %max3A : f32
    %div3A = arith.divf %mul3A_14, %max3A_17 : f32
    %swap3A = arith.constant 0 : index
    %swap3A_18 = arith.constant 0 : index
    %swap3A_19 = memref.load %arg2[%swap3A, %swap3A_18] : memref<1x1xf32, #tpu.memory_space<smem>>
    memref.store %div3A, %arg2[%swap3A, %swap3A_18] : memref<1x1xf32, #tpu.memory_space<smem>>
    return
  }
}

</mosaic_0001>

<sc_bundles>
// kernel: kernel.5.cloned.1.call-start
scs
__scs_entry_jumppad:
0x0: {  	(pc) =	sbr.rel $0x88, $3  }
0x1: {  	(tag) =	ssettag $0x0;
	lr =	simm.s32 $0x1  }
0x2: {  	[smem:$0x3F9E] =	sst lr;
	_ =	strace $0xD0000000  }
0x3: {  	_ = 	snop  }
0x4: {  	_ = 	snop  }
0x5: {  	_ = 	snop  }
0x6: {  	_ = 	snop  }
0x7: {  	_ = 	snop  }
__scs_overlays_trampoline_lowered:
0x8: {  	[smem:$0x3FAD] =	sst s0  }
0x9: {  	[smem:$0x3FAE] =	sst s1  }
0xa: {  	[smem:$0x3FAF] =	sst s2  }
0xb: {  	[smem:$0x3FB0] =	sst s3  }
0xc: {  	[smem:$0x3FB1] =	sst s4  }
0xd: {  	[smem:$0x3FB2] =	sst s5  }
0xe: {  	[smem:$0x3FB3] =	sst s6  }
0xf: {  	[smem:$0x3FB4] =	sst s7  }
0x10: {  	[smem:$0x3FB5] =	sst s8  }
0x11: {  	[smem:$0x3FB6] =	sst s9;
	s0 =	simm.s32 @!p0 $0x0  }
0x12: {  	s1 =	sld [smem:$0x3F9C];
	s0 =	simm.s32 @p0 $0x1  }
0x13: {  	[smem:$0x3FB7] =	sst s0;
	s0 =	simm.s32 @!p1 $0x0  }
0x14: {  	s2 =	sld [smem:$0x3F9B];
	s0 =	simm.s32 @p1 $0x1  }
0x15: {  	[smem:$0x3FB8] =	sst s0;
	s0 =	simm.s32 @!p2 $0x0  }
0x16: {  	s3 =	sld [smem:$0x3FDB];
	s0 =	simm.s32 @p2 $0x1  }
0x17: {  	s4 =	simm.s32 $0x1BF5;
	[smem:$0x3FBA] =	sst s0  }
0x18: {  	s0 =	sld [smem:$0x3F9D];
	_ =	swait.ge [sflag:s4], $0x0  }
0x19: {  	s7 =	sld [smem:$0x3F9E]  }
0x1a: {  	s8 =	sadd.s32 $0xFFFFE003, lr  }
0x1b: {  	s9 =	sadd.s32 $0xFFFFFEF7, lr;
	s5 =	simm.s32 $0xFFFFFFFF;
	p2 =	slt.u32 s8, $0xFFFFF086  }
0x1c: {  	p1 =	slt.u32 s9, $0xF7A;
	s5 =	simm.s32 @!p2 $0x0  }
0x1d: {  	s5 =	simm.s32 @p1 $0x1;
	p0 =	seq.s32 s7, s2  }
0x1e: {  	s7 =	smul.u32 @!p0 $0xF7A, s2;
	p2 =	seq.s32 @!p0 s5, $0x0  }
0x1f: {  	s9 =	smul.u32 $0xF7A, s1;
	s8 =	simm.s32 @!p0 $0x1BF5;
	p2 =	por !p2, p0  }
0x20: {  	[sflag:s8] =	ssyncset.s32 @!p0 $0xFFFFF086;
	s6 =	sadd.s32 @!p0 s3, s7;
	s7 =	simm.s32 @!p0 $0x108  }
0x21: {  	s3 =	sadd.s32 s3, s9;
	s6 =	sadd.s32 @!p0 $0x88, s6;
	s7 =	simm.s32 @p2 $0x1082  }
0x22: {  	[simem:s7], [sflag:s8] =	dma.local @!p0 [hbm:s6], $0xF7A  }
0x23: {  	s9 =	sor.u32 $0xD0000000, s2;
	s6 =	simm.s32 $0x108;
	_ =	swait.ge @!p0 [sflag:s8], $0x0  }
0x24: {  	s3 =	sadd.s32 $0x88, s3;
	s6 =	simm.s32 @!p1 $0x1082;
	[sflag:s4] =	ssyncset.s32 $0xFFFFF086  }
0x25: {  	[simem:s6], [sflag:s4] =	dma.local [hbm:s3], $0xF7A  }
0x26: {  	[smem:$0x3F9E] =	sst s1;
	(tag) =	ssettag s2;
	_ =	strace s9  }
0x27: {  	s1 =	sld [smem:$0x3FAE]  }
0x28: {  	s2 =	sld [smem:$0x3FAF]  }
0x29: {  	s4 =	sld [smem:$0x3FB1]  }
0x2a: {  	p0 =	seq.s32 s5, $0x0;
	s5 =	sld [smem:$0x3FB2]  }
0x2b: {  	s6 =	sld [smem:$0x3FB3]  }
0x2c: {  	s7 =	sld [smem:$0x3FB4]  }
0x2d: {  	s3 =	simm.s32 $0x108;
	s8 =	sld [smem:$0x3FB5]  }
0x2e: {  	s3 =	simm.s32 @!p0 $0x1082;
	s9 =	sld [smem:$0x3FB6]  }
0x2f: {  	lr =	sadd.s32 s0, s3;
	s0 =	sld [smem:$0x3FAD]  }
0x30: {  	s3 =	sld [smem:$0x3FB0]  }
0x31: {  	[smem:$0x3FB9] =	sst s10  }
0x32: {  	s10 =	sld [smem:$0x3FB7];
	_ =	sdelay $0x3  }
0x33: {  	p0 =	seq.s32 s10, $0x1;
	s10 =	sld [smem:$0x3FB9];
	_ =	sdelay $0x3  }
0x34: {  	[smem:$0x3FB9] =	sst s10  }
0x35: {  	s10 =	sld [smem:$0x3FB8];
	_ =	sdelay $0x3  }
0x36: {  	p1 =	seq.s32 s10, $0x1;
	s10 =	sld [smem:$0x3FB9];
	_ =	sdelay $0x3  }
0x37: {  	[smem:$0x3FB9] =	sst s10  }
0x38: {  	s10 =	sld [smem:$0x3FBA]  }
0x39: {  	_ = 	snop;
	(pc) =	sbr.ind lr, $3  }
0x3a: {  	_ = 	snop  }
0x3b: {  	_ = 	snop  }
0x3c: {  	p2 =	seq.s32 s10, $0x1;
	s10 =	sld [smem:$0x3FB9]  }
0x3d: {  	_ =	shalt  }
0x3e: {  	_ =	shalt  }
0x3f: {  	_ =	shalt  }
0x40: {  	_ =	shalt  }
0x41: {  	_ =	shalt  }
0x42: {  	_ =	shalt  }
0x43: {  	_ =	shalt  }
0x44: {  	_ =	shalt  }
0x45: {  	_ =	shalt  }
0x46: {  	_ =	shalt  }
0x47: {  	_ =	shalt  }
0x48: {  	_ =	shalt  }
0x49: {  	_ =	shalt  }
0x4a: {  	_ =	shalt  }
0x4b: {  	_ =	shalt  }
0x4c: {  	_ =	shalt  }
0x4d: {  	_ =	shalt  }
0x4e: {  	_ =	shalt  }
0x4f: {  	_ =	shalt  }
0x50: {  	_ =	shalt  }
0x51: {  	_ =	shalt  }
0x52: {  	_ =	shalt  }
0x53: {  	_ =	shalt  }
0x54: {  	_ =	shalt  }
0x55: {  	_ =	shalt  }
0x56: {  	_ =	shalt  }
0x57: {  	_ =	shalt  }
0x58: {  	_ =	shalt  }
0x59: {  	_ =	shalt  }
0x5a: {  	_ =	shalt  }
0x5b: {  	_ =	shalt  }
0x5c: {  	_ =	shalt  }
0x5d: {  	_ =	shalt  }
0x5e: {  	_ =	shalt  }
0x5f: {  	_ =	shalt  }
0x60: {  	_ =	shalt  }
0x61: {  	_ =	shalt  }
0x62: {  	_ =	shalt  }
0x63: {  	_ =	shalt  }
0x64: {  	_ =	shalt  }
0x65: {  	_ =	shalt  }
0x66: {  	_ =	shalt  }
0x67: {  	_ =	shalt  }
0x68: {  	_ =	shalt  }
0x69: {  	_ =	shalt  }
0x6a: {  	_ =	shalt  }
0x6b: {  	_ =	shalt  }
0x6c: {  	_ =	shalt  }
0x6d: {  	_ =	shalt  }
0x6e: {  	_ =	shalt  }
0x6f: {  	_ =	shalt  }
0x70: {  	_ =	shalt  }
0x71: {  	_ =	shalt  }
0x72: {  	_ =	shalt  }
0x73: {  	_ =	shalt  }
0x74: {  	_ =	shalt  }
0x75: {  	_ =	shalt  }
0x76: {  	_ =	shalt  }
0x77: {  	_ =	shalt  }
0x78: {  	_ =	shalt  }
0x79: {  	_ =	shalt  }
0x7a: {  	_ =	shalt  }
0x7b: {  	_ =	shalt  }
0x7c: {  	_ =	shalt  }
0x7d: {  	_ =	shalt  }
0x7e: {  	_ =	shalt  }
0x7f: {  	_ =	shalt  }
0x80: {  	_ =	shalt  }
0x81: {  	_ =	shalt  }
0x82: {  	_ =	shalt  }
0x83: {  	_ =	shalt  }
0x84: {  	_ =	shalt  }
0x85: {  	_ =	shalt  }
0x86: {  	_ =	shalt  }
0x87: {  	_ =	shalt  }
.Lfunc_end0:
.L_simem_size_0:
called_computation_lowered:
.L_overlay_start_0:
0x88: {  	s2 =	sld [smem:$0x3FD9]  }
0x89: {  	s3 =	sld [smem:$0x3FFE];
	_ =	sdelay $0x1  }
0x8a: {  	s1 =	srdreg.scid  }
0x8b: {  	s0 =	sand.u32 $0x1, s1  }
0x8c: {  	s16 =	sshll.u32 s0, $0xA;
	s2 =	sadd.s32 s3, s2  }
0x8d: {  	s2 =	sadd.s32 s2, s16  }
0x8e: {  	[smem:$0x3FC5] =	sst s2  }
0x8f: {  	_ = 	snop  }
0x90: {  	(tm) =	ssettm $0x1  }
0x91: {  	s17 =	sld [smem:$0x3FFB];
	_ =	sdelay $0x3  }
0x92: {  	_ =	strace s17  }
0x93: {  	s2 =	sld [smem:$0x3FFC];
	_ =	sdelay $0x3  }
0x94: {  	_ =	strace s2  }
0x95: {  	s2 =	sld [smem:$0x3FFD];
	_ =	sdelay $0x3  }
0x96: {  	_ =	strace s2  }
0x97: {  	_ =	strace $0x8FFFFFFF  }
0x98: {  	s18 =	sld [smem:$0x3FDB];
	_ =	sdelay $0x1  }
0x99: {  	s19 =	simm.s32 $_scs_section_size  }
0x9a: {  	s4 =	simm.s32 $_size__tile_overlayer_lowered;
	s5 =	simm.s32 $_tile_overlayer_lowered  }
0x9b: {  	s22 =	simm.s32 $0x1BFF;
	s21 =	sshll.u32 s5, $0x1;
	s2 =	sadd.s32 s19, s18  }
0x9c: {  	s6 =	simm.s32 $0x0;
	s20 =	sshll.u32 s4, $0x1;
	s4 =	sadd.s32 s21, s2  }
0x9d: {  	[timem:s6], [sflag:s22] =	dma.local [hbm:s4], s20  }
0x9e: {  	_ =	swait.ge [sflag:s22], s20  }
0x9f: {  	s3 =	ssub.s32 $0x0, s20;
	[sflag:s22] =	ssyncset.done $0x0  }
0xa0: {  	[sflag:s22] =	ssyncadd.s32 s3;
	_ =	sdelay $0x1  }
0xa1: {  	s23 =	simm.s32 $0x1B8B  }
0xa2: {  	_ =	swait.ge [sflag:s23], $0x1  }
0xa3: {  	[sflag:s23] =	ssyncset.done $0x0  }
0xa4: {  	s25 =	simm.s32 $0x1B8E;
	s24 =	sld [smem:$0x3FFE];
	[sflag:s23] =	ssyncadd.s32 $0xFFFFFFFF  }
0xa5: {  	s26 =	simm.s32 $execute0_lowered;
	[smem:$0x3FD2] =	sst s25  }
0xa6: {  	s4 =	sshll.u32 s26, $0x1;
	_ =	strace $0x80000046;
	[dreg:$0x1] =	wrdreg $0xFFFFFFFF  }
0xa7: {  	s28 =	simm.s32 $_size_execute0_lowered;
	s2 =	sadd.s32 s2, s4;
	[dreg:$0x0] =	wrdreg $0x0  }
0xa8: {  	s4 =	sshll.u32 s28, $0x1;
	[dreg:$0x2] =	wrdreg s2  }
0xa9: {  	[dreg:$0x3] =	wrdreg s4  }
0xaa: {  	[dreg:$0x4] =	wrdreg $0xC0  }
0xab: {  	_ =	task [dreg:s6], $0x5FFFF  }
0xac: {  	[dreg:$0x1] =	wrdreg $0xFFFFFFFF  }
0xad: {  	[dreg:$0x0] =	wrdreg $0x60  }
0xae: {  	[dreg:$0x2] =	wrdreg s24  }
0xaf: {  	[dreg:$0x3] =	wrdreg $0x9  }
0xb0: {  	_ =	task.clear_ibuf [dreg:s6], $0x4FFFF;
	_ =	strace $0x90000046  }
0xb1: {  	s29 =	simm.s32 $0x9;
	_ =	strace $0x80000048  }
0xb2: {  	_ =	swait.ge [sflag:s29], $0x1  }
0xb3: {  	[sflag:s29] =	ssyncadd.s32 $0xFFFFFFFF  }
0xb4: {  	_ =	strace $0x90000048  }
0xb5: {  	_ =	sfence  }
0xb6: {  	s30 =	sld [smem:$0x0];
	_ =	sdelay $0x2  }
0xb7: {  	s31 =	sshll.u32 s1, $0xD;
	s1 =	sshrl.u32 s1, $0x2  }
0xb8: {  	s3 =	sand.u32 $0x4000, s31;
	s1 =	sadd.s32 s1, s30  }
0xb9: {  	s0 =	sor.u32 s3, s0;
	s1 =	sshll.u32 s1, $0x11  }
0xba: {  	s0 =	sor.u32 s1, s0  }
0xbb: {  	s0 =	sadd.s32 $0x8F2B, s0  }
0xbc: {  	[sflag:s0] =	ssyncadd.remote.s32 $0x1  }
0xbd: {  	_ =	sfence.sel $0xFFFF  }
0xbe: {  	[dreg:$0x0] =	wrdreg $0xFFFFFFFF;
	(pc) =	sbr.abs _section_cstart, $3  }
0xbf: {  	[dreg:$0x1] =	wrdreg $0xFFFFFFFF  }
0xc0: {  	_ =	task.clear_ibuf [dreg:s6], $0x2FFFF;
	_ =	strace $0x9FFFFFFF  }
0xc1: {  	(tm) =	ssettm $0x7FFFFFFF  }
tec
execute0_lowered:
.L_overlay_start_1:
0x0: {  	(tag) =	ssettag $0x1  }
0x1: {  	v0 =	vlaneseq.u32  }
0x2: {  	v0 =	vmul.u32 $0x10, v0;
	_ =	sdelay $0x1  }
0x3: {  	s4 =	rddreg [dreg:$0x0];
	v4 =	vimm.f32 $0.0e+00;
	v1 =	vor.u32 $0x1, v0  }
0x4: {  	s0 =	rddreg [dreg:$0x1];
	s3 =	srdreg.scid;
	v2 =	vor.u32 $0x2, v0;
	v3 =	vor.u32 $0x3, v0;
	v5 =	vor.u32 $0x100, v0  }
0x5: {  	s1 =	stileid.u32;
	s2 =	simm.s32 $0x0;
	s11 =	simm.s32 $0x1;
	v6 =	vor.u32 $0x101, v0;
	v7 =	vor.u32 $0x102, v0;
	v8 =	vor.u32 $0x103, v0  }
0x6: {  	s12 =	simm.s32 $0x880;
	s13 =	simm.s32 $0x1080;
	s5 =	sand.u32 $0x1, s3;
	v9 =	vor.u32 $0x200, v0;
	v10 =	vor.u32 $0x201, v0;
	v11 =	vor.u32 $0x202, v0  }
0x7: {  	s31 =	sshll.u32 s1, $0x1;
	[smem:$0x7FF] =	sst s2;
	s3 =	sadd.s32 $0xC3E00, s4;
	v12 =	vor.u32 $0x203, v0;
	v13 =	vor.u32 $0x300, v0;
	v14 =	vor.u32 $0x301, v0  }
0x8: {  	s6 =	sor.u32 s5, s31;
	_ =	strace $0x80000047;
	s5 =	ssub.s32 $0x2, s5;
	v15 =	vor.u32 $0x302, v0;
	v16 =	vor.u32 $0x303, v0;
	v17 =	vor.u32 $0x400, v0  }
0x9: {  	s7 =	sshll.u32 s6, $0x8;
	s8 =	sshll.u32 s6, $0x4;
	s6 =	sshll.u32 s6, $0x1;
	v18 =	vor.u32 $0x401, v0;
	v19 =	vor.u32 $0x402, v0;
	v20 =	vor.u32 $0x403, v0  }
0xa: {  	s9 =	sshrl.u32 s5, $0x1;
	v21 =	vor.u32 $0x500, v0;
	v22 =	vor.u32 $0x501, v0;
	v23 =	vor.u32 $0x502, v0;
	s7 =	sadd.s32 s7, s4;
	s8 =	sadd.s32 s8, s4  }
0xb: {  	v24 =	vor.u32 $0x503, v0;
	v25 =	vor.u32 $0x600, v0;
	v26 =	vor.u32 $0x601, v0;
	s10 =	sadd.s32 s6, s4;
	s9 =	ssub.s32 s5, s9;
	s4 =	sadd.s32 $0x2800, s8  }
0xc: {  	v27 =	vor.u32 $0x602, v0;
	v28 =	vor.u32 $0x603, v0;
	v29 =	vor.u32 $0x700, v0;
	s5 =	sadd.s32 $0x800, s7;
	s6 =	sadd.s32 $0x2A00, s10;
	s7 =	sadd.s32 $0x2C00, s10  }
0xd: {  	v30 =	vor.u32 $0x701, v0;
	v31 =	vor.u32 $0x702, v0;
	v32 =	vor.u32 $0x703, v0;
	s8 =	smax.u32 s9, $0x1;
	s9 =	simm.s32 $0x2;
	s10 =	simm.s32 $0x80  }
.LBB2_1:
0xe: {  	[tilespmem:s2], [sflag:$0x2] =	stream.linear.gather [hbm4b:s4+s2], $0x80, $0x38;
	[tilespmem:$0x1090] =	vst v63  }
0xf: {  	_ =	swait.ge [sflag:s9], $0x80  }
0x10: {  	[sflag:s9] =	ssyncset.done $0x0  }
0x11: {  	[sflag:s9] =	ssyncadd.s32 $0xFFFFFF80  }
0x12: {  	[tilespmem:s10], [sflag:$0x1] =	stream.indirect.gather [hbm4b:s3+s10], $0x10, s2, s10, $0xb8;
	[tilespmem:$0x1090] =	vst v63  }
0x13: {  	_ =	swait.ge [sflag:s11], $0x800  }
0x14: {  	[sflag:s11] =	ssyncset.done $0x0  }
0x15: {  	[sflag:s11] =	ssyncadd.s32 $0xFFFFF800  }
0x16: {  	[tilespmem:s12], [sflag:$0x2] =	stream.linear.gather [hbm4b:s5+s2], $0x800, $0x38;
	[tilespmem:$0x1090] =	vst v63  }
0x17: {  	_ =	swait.ge [sflag:s9], $0x800  }
0x18: {  	[sflag:s9] =	ssyncset.done $0x0  }
0x19: {  	[sflag:s9] =	ssyncadd.s32 $0xFFFFF800  }
0x1a: {  	v33 =	vld.idx.msk [tilespmem:v0+s10+$0x0], $0xffff  }
0x1b: {  	v34 =	vld.idx.msk [tilespmem:v1+s10+$0x0], $0xffff  }
0x1c: {  	v35 =	vld.idx.msk [tilespmem:v2+s10+$0x0], $0xffff  }
0x1d: {  	v36 =	vld.idx.msk [tilespmem:v0+s12+$0x0], $0xffff  }
0x1e: {  	v37 =	vld.idx.msk [tilespmem:v1+s12+$0x0], $0xffff  }
0x1f: {  	v38 =	vld.idx.msk [tilespmem:v2+s12+$0x0], $0xffff  }
0x20: {  	v39 =	vld.idx.msk [tilespmem:v3+s12+$0x0], $0xffff  }
0x21: {  	v40 =	vld.idx.msk [tilespmem:v5+s10+$0x0], $0xffff  }
0x22: {  	v41 =	vld.idx.msk [tilespmem:v6+s10+$0x0], $0xffff  }
0x23: {  	v42 =	vld.idx.msk [tilespmem:v7+s10+$0x0], $0xffff  }
0x24: {  	v43 =	vld.idx.msk [tilespmem:v5+s12+$0x0], $0xffff  }
0x25: {  	v44 =	vld.idx.msk [tilespmem:v6+s12+$0x0], $0xffff  }
0x26: {  	v45 =	vld.idx.msk [tilespmem:v7+s12+$0x0], $0xffff  }
0x27: {  	v46 =	vld.idx.msk [tilespmem:v8+s12+$0x0], $0xffff  }
0x28: {  	v47 =	vld.idx.msk [tilespmem:v9+s10+$0x0], $0xffff  }
0x29: {  	v48 =	vld.idx.msk [tilespmem:v10+s10+$0x0], $0xffff  }
0x2a: {  	v49 =	vld.idx.msk [tilespmem:v11+s10+$0x0], $0xffff  }
0x2b: {  	v50 =	vld.idx.msk [tilespmem:v9+s12+$0x0], $0xffff  }
0x2c: {  	v51 =	vld.idx.msk [tilespmem:v10+s12+$0x0], $0xffff  }
0x2d: {  	v52 =	vld.idx.msk [tilespmem:v11+s12+$0x0], $0xffff  }
0x2e: {  	v53 =	vld.idx.msk [tilespmem:v12+s12+$0x0], $0xffff  }
0x2f: {  	v54 =	vld.idx.msk [tilespmem:v13+s10+$0x0], $0xffff  }
0x30: {  	v55 =	vld.idx.msk [tilespmem:v14+s10+$0x0], $0xffff  }
0x31: {  	v56 =	vld.idx.msk [tilespmem:v15+s10+$0x0], $0xffff  }
0x32: {  	v57 =	vld.idx.msk [tilespmem:v13+s12+$0x0], $0xffff  }
0x33: {  	v58 =	vld.idx.msk [tilespmem:v14+s12+$0x0], $0xffff  }
0x34: {  	v59 =	vld.idx.msk [tilespmem:v15+s12+$0x0], $0xffff  }
0x35: {  	v60 =	vld.idx.msk [tilespmem:v18+s10+$0x0], $0xffff  }
0x36: {  	v61 =	vld.idx.msk [tilespmem:v19+s10+$0x0], $0xffff  }
0x37: {  	v33 =	vsub.f32 v33, v36;
	v36 =	vld.idx.msk [tilespmem:v16+s12+$0x0], $0xffff  }
0x38: {  	v34 =	vsub.f32 v34, v37;
	v37 =	vld.idx.msk [tilespmem:v17+s10+$0x0], $0xffff;
	v35 =	vsub.f32 v35, v38  }
0x39: {  	v38 =	vsub.f32 v40, v43;
	v40 =	vsub.f32 v41, v44;
	v41 =	vld.idx.msk [tilespmem:v18+s12+$0x0], $0xffff  }
0x3a: {  	v62 =	vsub.f32 v47, v50;
	v47 =	vld.idx.msk [tilespmem:v19+s12+$0x0], $0xffff  }
0x3b: {  	v42 =	vsub.f32 v42, v45;
	v45 =	vld.idx.msk [tilespmem:v20+s12+$0x0], $0xffff  }
0x3c: {  	v52 =	vsub.f32 v49, v52;
	v49 =	vld.idx.msk [tilespmem:v21+s10+$0x0], $0xffff  }
0x3d: {  	v50 =	vld.idx.msk [tilespmem:v21+s12+$0x0], $0xffff  }
0x3e: {  	v63 =	vsub.f32 v48, v51;
	v48 =	vld.idx.msk [tilespmem:v23+s12+$0x0], $0xffff  }
0x3f: {  	v54 =	vsub.f32 v54, v57;
	v55 =	vsub.f32 v55, v58;
	v51 =	vld.idx.msk [tilespmem:v27+s10+$0x0], $0xffff;
	v33 =	vmul.f32 v33, v33  }
0x40: {  	v58 =	vsub.f32 v56, v59;
	v56 =	vld.idx.msk [tilespmem:v29+s10+$0x0], $0xffff;
	v34 =	vmul.f32 v34, v34;
	v35 =	vmul.f32 v35, v35  }
0x41: {  	vm0 =	vlt.f32 v39, $1.000000000e+00;
	v43 =	vmul.f32 v62, v62;
	v62 =	vmul.f32 v42, v42;
	v42 =	vld.idx.msk [tilespmem:v22+s12+$0x0], $0xffff  }
0x42: {  	vm1 =	vlt.f32 v46, $1.000000000e+00;
	v44 =	vmul.f32 v63, v63;
	v39 =	vmul.f32 v54, v54;
	v54 =	vld.idx.msk [tilespmem:v26+s12+$0x0], $0xffff  }
0x43: {  	vm2 =	vlt.f32 v53, $1.000000000e+00;
	v38 =	vmul.f32 v38, v38;
	v59 =	vmul.f32 v55, v55;
	v55 =	vld.idx.msk [tilespmem:v27+s12+$0x0], $0xffff  }
0x44: {  	v40 =	vmul.f32 v40, v40;
	v33 =	vadd.f32 v34, v33;
	v34 =	vld.idx.msk [tilespmem:v17+s12+$0x0], $0xffff;
	v63 =	vadd.f32 v44, v43  }
0x45: {  	v52 =	vmul.f32 v52, v52;
	v44 =	vld.idx.msk [tilespmem:v23+s10+$0x0], $0xffff;
	v39 =	vadd.f32 v59, v39;
	v60 =	vsub.f32 v60, v41  }
0x46: {  	v43 =	vmul.f32 v58, v58;
	v41 =	vld.idx.msk [tilespmem:v25+s10+$0x0], $0xffff;
	v47 =	vsub.f32 v61, v47;
	v58 =	vsub.f32 v49, v50  }
0x47: {  	vm3 =	vlt.f32 v36, $1.000000000e+00;
	v61 =	vld.idx.msk [tilespmem:v24+s12+$0x0], $0xffff;
	v33 =	vadd.f32 v35, v33;
	v35 =	vadd.f32 v40, v38  }
0x48: {  	vm4 =	vlt.f32 v45, $1.000000000e+00;
	v38 =	vld.idx.msk [tilespmem:v22+s10+$0x0], $0xffff;
	v57 =	vadd.f32 v52, v63;
	v63 =	vadd.f32 v43, v39  }
0x49: {  	v52 =	vld.idx.msk [tilespmem:v25+s12+$0x0], $0xffff;
	v53 =	vmul.f32 v47, v47;
	v36 =	vsub.f32 v51, v55;
	v35 =	vadd.f32 v62, v35  }
0x4a: {  	v59 =	vld.idx.msk [tilespmem:v29+s12+$0x0], $0xffff;
	v33 =	vnsel vm0, $0x0, v33;
	v40 =	vnsel vm2, $0x0, v57;
	v34 =	vsub.f32 v37, v34  }
0x4b: {  	v62 =	vld.idx.msk [tilespmem:v26+s10+$0x0], $0xffff;
	v37 =	vmul.f32 v60, v60;
	v44 =	vsub.f32 v44, v48;
	v36 =	vmul.f32 v36, v36  }
0x4c: {  	v49 =	vld.idx.msk [tilespmem:v31+s12+$0x0], $0xffff;
	v35 =	vnsel vm1, $0x0, v35;
	vm13 =	vlt.f32 v61, $1.000000000e+00;
	v34 =	vmul.f32 v34, v34  }
0x4d: {  	v57 =	vld.idx.msk [tilespmem:v30+s10+$0x0], $0xffff;
	v33 =	vadd.f32 v35, v33;
	v35 =	vnsel vm3, $0x0, v63;
	v38 =	vsub.f32 v38, v42  }
0x4e: {  	v60 =	vld.idx.msk [tilespmem:v30+s12+$0x0], $0xffff;
	v39 =	vsub.f32 v41, v52;
	v48 =	vmul.f32 v44, v44;
	v34 =	vadd.f32 v37, v34  }
0x4f: {  	v63 =	vld.idx.msk [tilespmem:v31+s10+$0x0], $0xffff;
	v52 =	vsel vm0, $0x3F800000, v4;
	v33 =	vadd.f32 v40, v33;
	v40 =	vmul.f32 v58, v58  }
0x50: {  	v38 =	vmul.f32 v38, v38;
	v62 =	vsub.f32 v62, v54;
	v34 =	vadd.f32 v53, v34  }
0x51: {  	v37 =	vsub.f32 v56, v59;
	v39 =	vmul.f32 v39, v39;
	v33 =	vadd.f32 v35, v33  }
0x52: {  	v38 =	vadd.f32 v38, v40;
	v41 =	vmul.f32 v62, v62;
	v34 =	vnsel vm4, $0x0, v34  }
0x53: {  	v51 =	vld.idx.msk [tilespmem:v28+s12+$0x0], $0xffff;
	v37 =	vmul.f32 v37, v37;
	v33 =	vadd.f32 v34, v33;
	v34 =	vsub.f32 v57, v60  }
0x54: {  	v53 =	vsel vm1, $0x3F800000, v4;
	v54 =	vsub.f32 v63, v49;
	v50 =	vadd.f32 v41, v39  }
0x55: {  	v55 =	vld.idx.msk [tilespmem:v32+s12+$0x0], $0xffff;
	v40 =	vadd.f32 v53, v52;
	v38 =	vadd.f32 v48, v38;
	v34 =	vmul.f32 v34, v34  }
0x56: {  	v56 =	vsel vm2, $0x3F800000, v4;
	v58 =	vmul.f32 v54, v54;
	v35 =	vadd.f32 v36, v50  }
0x57: {  	v36 =	vadd.f32 v56, v40;
	v57 =	vnsel vm13, $0x0, v38;
	v34 =	vadd.f32 v34, v37  }
0x58: {  	vm14 =	vlt.f32 v51, $1.000000000e+00;
	v59 =	vsel vm3, $0x3F800000, v4;
	v33 =	vadd.f32 v57, v33  }
0x59: {  	v35 =	vnsel vm14, $0x0, v35;
	v36 =	vadd.f32 v59, v36;
	v34 =	vadd.f32 v58, v34  }
0x5a: {  	vm15 =	vlt.f32 v55, $1.000000000e+00;
	v60 =	vsel vm4, $0x3F800000, v4;
	v33 =	vadd.f32 v35, v33  }
0x5b: {  	v35 =	vadd.f32 v60, v36;
	v34 =	vnsel vm15, $0x0, v34  }
0x5c: {  	v61 =	vsel vm13, $0x3F800000, v4;
	v33 =	vadd.f32 v34, v33  }
0x5d: {  	v34 =	vadd.f32 v61, v35  }
0x5e: {  	v62 =	vsel vm14, $0x3F800000, v4;
	[tilespmem:$0x1080] =	vst v33  }
0x5f: {  	v33 =	vadd.f32 v62, v34;
	[hbm4b:s6+s2] =	stream.linear.scatter [tilespmem:s13], [sflag:$0x2], $0x10, $0x38;
	[tilespmem:$0x1090] =	vst v63  }
0x60: {  	v63 =	vsel vm15, $0x3F800000, v4;
	_ =	swait.ge [sflag:s9], $0x10  }
0x61: {  	v33 =	vadd.f32 v63, v33;
	[sflag:s9] =	ssyncset.done $0x0  }
0x62: {  	p0 =	sne.s32 s8, $0x1;
	[sflag:s9] =	ssyncadd.s32 $0xFFFFFFF0  }
.Ltmp0:
0x63: {  	[tilespmem:$0x1080] =	vst v33;
	(pc) =	sbr.rel @p0 .LBB2_1-.Ltmp0, $4  }
0x64: {  	[hbm4b:s7+s2] =	stream.linear.scatter [tilespmem:s13], [sflag:$0x2], $0x10, $0x38;
	[tilespmem:$0x1090] =	vst v63  }
0x65: {  	_ =	swait.ge [sflag:s9], $0x10  }
0x66: {  	[sflag:s9] =	ssyncset.done $0x0  }
0x67: {  	s8 =	sadd.s32 $0xFFFFFFFF, s8;
	[sflag:s9] =	ssyncadd.s32 $0xFFFFFFF0  }
0x68: {  	_ =	sfence.sel $0x180000  }
0x69: {  	[bflag:$0x0] =	sbarrier.arrive $0xFFFF  }
0x6a: {  	p0 =	sne.s32 s1, $0x0;
	_ =	strace $0x90000047  }
0x6b: {  	s0 =	sadd.s32 @!p0 $0x100000, s0;
	[bflag:$0x2] =	sbarrier.arrive $0xFFFF  }
0x6c: {  	[sflag:s0] =	ssyncadd.tile.s32 @!p0 $0x1;
	_ =	shalt  }
.Lfunc_end2:
_tile_overlayer_lowered:
.L_overlay_start_2:
0x6d: {  	(tag) =	ssettag $0x2  }
0x6e: {  	s0 =	rddreg [dreg:$0x0];
	s2 =	stileid.u32  }
0x6f: {  	s1 =	rddreg [dreg:$0x1];
	p0 =	sne.s32 s2, $0x0  }
0x70: {  	s3 =	rddreg [dreg:$0x2];
	[bflag:$0x3] =	sbarrier.arrive $0xFFFF;
	s2 =	simm.s32 @!p0 $0x1C02  }
0x71: {  	[timem:s3], [sflag:s2] =	dma.local @!p0 [hbm:s0], s1  }
0x72: {  	s0 =	simm.s32 @!p0 $0x2  }
0x73: {  	_ =	swait.ge @!p0 [sflag:s0], s1  }
0x74: {  	s1 =	ssub.s32 @!p0 $0x0, s1;
	[sflag:s0] =	ssyncset.done @!p0 $0x0  }
0x75: {  	[sflag:s0] =	ssyncadd.s32 @!p0 s1  }
0x76: {  	[bflag:$0x3] =	sbarrier.arrive $0xFFFF  }
0x77: {  	_ =	shalt  }

</sc_bundles>
